<compile_context>
chip_gen: v7x
topology: tpu7x:2x2x1
jax: 0.10.2.dev20260603
libtpu: 0.0.44.dev20260713+nightly
codegen_flags: <defaults>
</compile_context>

<pallas_src>
import functools
import math

import jax
import jax.numpy as jnp
from jax import lax
from jax.experimental import pallas as pl
from jax.experimental.pallas import tpu as pltpu
from jax.experimental.pallas import tpu_sc as plsc

S = 2048
D = 768
NH = 12
H = 64
E = 64
CAP = 40
EC = E * CAP
EB = 1
ECP = (E // EB + 1) * EB * CAP
F = 768
ROPE_THETA = 1024.0
ROT_HALF = 16
BS = 1024
NBLK = S // BS

_NW = 32
_TPW = S // _NW


def _qkv_body(x_ref, wq_ref, wk_ref, wv_ref, g1_ref, q_ref, k_ref, v_ref):
    i = pl.program_id(0)
    x = x_ref[...]
    var = jnp.mean(x * x, axis=1, keepdims=True)
    h = x * lax.rsqrt(var + 1e-5) * g1_ref[...]
    q = jnp.dot(h, wq_ref[...], preferred_element_type=jnp.float32)
    k = jnp.dot(h, wk_ref[...], preferred_element_type=jnp.float32)
    v = jnp.dot(h, wv_ref[...], preferred_element_type=jnp.float32)

    hr = lax.broadcasted_iota(jnp.int32, (D, NH), 0)
    hc = lax.broadcasted_iota(jnp.int32, (D, NH), 1)
    hm = (hr // H == hc).astype(jnp.float32)
    tr = lax.broadcasted_iota(jnp.int32, (NH, D), 0)
    tc = lax.broadcasted_iota(jnp.int32, (NH, D), 1)
    hmT = (tc // H == tr).astype(jnp.float32)

    def headnorm(t):
        vh = jnp.dot(t * t, hm, preferred_element_type=jnp.float32) * (1.0 / H)
        sc = lax.rsqrt(vh + 1e-6)
        return t * jnp.dot(sc, hmT, preferred_element_type=jnp.float32)

    q = headnorm(q)
    k = headnorm(k)

    pos = (lax.broadcasted_iota(jnp.int32, (BS, D), 0)
           + i * BS).astype(jnp.float32)
    lane = lax.broadcasted_iota(jnp.int32, (BS, D), 1)
    off = lane % H
    j = (off % ROT_HALF).astype(jnp.float32)
    inv = jnp.exp(j * (-math.log(ROPE_THETA) / ROT_HALF))
    ang = pos * inv
    in_rot = off < 2 * ROT_HALF
    C = jnp.where(in_rot, jnp.cos(ang), 1.0)
    Sn = jnp.where(in_rot, jnp.sin(ang), 0.0)
    pr = lax.broadcasted_iota(jnp.int32, (D, D), 0)
    pc = lax.broadcasted_iota(jnp.int32, (D, D), 1)
    offc = pc % H
    P = jnp.where((offc < ROT_HALF) & (pr == pc + ROT_HALF), -1.0,
                  jnp.where((offc >= ROT_HALF) & (offc < 2 * ROT_HALF)
                            & (pr == pc - ROT_HALF), 1.0, 0.0))

    q_ref[...] = q * C + jnp.dot(q, P, preferred_element_type=jnp.float32) * Sn
    k_ref[...] = k * C + jnp.dot(k, P, preferred_element_type=jnp.float32) * Sn
    v_ref[...] = v


def _qkv(x, w_q, w_k, w_v, g1):
    full = lambda i: (0, 0)
    blk = lambda i: (i, 0)
    return pl.pallas_call(
        _qkv_body,
        grid=(NBLK,),
        in_specs=[
            pl.BlockSpec((BS, D), blk),
            pl.BlockSpec((D, NH * H), full),
            pl.BlockSpec((D, NH * H), full),
            pl.BlockSpec((D, NH * H), full),
            pl.BlockSpec((1, D), full),
        ],
        out_specs=[
            pl.BlockSpec((BS, NH * H), blk),
            pl.BlockSpec((BS, NH * H), blk),
            pl.BlockSpec((BS, NH * H), blk),
        ],
        out_shape=[jax.ShapeDtypeStruct((S, NH * H), jnp.float32)] * 3,
    )(x, w_q, w_k, w_v, g1)


BSA = 512


def _attn_body(q_ref, k_ref, v_ref, o_ref, *, kext, qoff):
    qi = pl.program_id(0)
    qpos = lax.broadcasted_iota(jnp.int32, (BSA, kext), 0) + (qoff + qi) * BSA
    kpos = lax.broadcasted_iota(jnp.int32, (BSA, kext), 1)
    bias = jnp.where(kpos <= qpos, 0.0, -1e30)
    outs = []
    for n in range(NH):
        q = q_ref[:, n * H:(n + 1) * H] * (1.0 / math.sqrt(H))
        k = k_ref[:, n * H:(n + 1) * H]
        v = v_ref[:, n * H:(n + 1) * H]
        s = lax.dot_general(q, k, (((1,), (1,)), ((), ())),
                            preferred_element_type=jnp.float32)
        p = jnp.exp(s + bias)
        l = jnp.sum(p, axis=1, keepdims=True)
        outs.append(jnp.dot(p, v, preferred_element_type=jnp.float32) / l)
    o_ref[...] = jnp.concatenate(outs, axis=1)


def _attention(q, k, v):
    halves = []
    hb = S // 2 // BSA
    for g in range(2):
        kext = (g + 1) * (S // 2)
        body = functools.partial(_attn_body, kext=kext, qoff=g * hb)
        halves.append(pl.pallas_call(
            body,
            grid=(hb,),
            in_specs=[
                pl.BlockSpec((BSA, NH * H), lambda i, g=g: (g * hb + i, 0)),
                pl.BlockSpec((kext, NH * H), lambda i: (0, 0)),
                pl.BlockSpec((kext, NH * H), lambda i: (0, 0)),
            ],
            out_specs=pl.BlockSpec((BSA, NH * H), lambda i: (i, 0)),
            out_shape=jax.ShapeDtypeStruct((S // 2, NH * H), jnp.float32),
        )(q, k, v))
    return jnp.concatenate(halves, axis=0)


def _proj_route_body(ao_ref, wo_ref, x_ref, g2_ref, rw_ref,
                     xmid_ref, h2_ref, idx_ref, counts):
    i = pl.program_id(0)

    @pl.when(i == 0)
    def _():
        counts[...] = jnp.zeros_like(counts)

    xm = x_ref[...] + jnp.dot(ao_ref[...], wo_ref[...],
                              preferred_element_type=jnp.float32)
    var = jnp.mean(xm * xm, axis=1, keepdims=True)
    h2 = xm * lax.rsqrt(var + 1e-5) * g2_ref[...]
    logits = jnp.dot(h2, rw_ref[...], preferred_element_type=jnp.float32)

    rowmax = jnp.max(logits, axis=1, keepdims=True)
    lane = lax.broadcasted_iota(jnp.int32, (BS, E), 1)
    sel = jnp.min(jnp.where(logits == rowmax, lane, E), axis=1, keepdims=True)
    oh = (lane == sel).astype(jnp.float32)

    tr = lax.broadcasted_iota(jnp.int32, (BS, BS), 0)
    tc = lax.broadcasted_iota(jnp.int32, (BS, BS), 1)
    tril = (tc < tr).astype(jnp.float32)
    pos_in = jnp.dot(tril, oh, preferred_element_type=jnp.float32)
    pos_all = counts[...] + pos_in
    pos = jnp.sum(pos_all * oh, axis=1, keepdims=True).astype(jnp.int32)
    counts[...] = counts[...] + jnp.sum(oh, axis=0, keepdims=True)

    slot = sel * CAP + pos
    idx = jnp.where(pos < CAP, slot, EC)
    xmid_ref[...] = xm
    h2_ref[...] = h2
    idx_ref[...] = jnp.broadcast_to(idx, (BS, 128))


def _proj_route(attn_out, w_o, x, g2, router_w):
    full = lambda i: (0, 0)
    blk = lambda i: (i, 0)
    return pl.pallas_call(
        _proj_route_body,
        grid=(NBLK,),
        in_specs=[
            pl.BlockSpec((BS, NH * H), blk),
            pl.BlockSpec((NH * H, D), full),
            pl.BlockSpec((BS, D), blk),
            pl.BlockSpec((1, D), full),
            pl.BlockSpec((D, E), full),
        ],
        out_specs=[
            pl.BlockSpec((BS, D), blk),
            pl.BlockSpec((BS, D), blk),
            pl.BlockSpec((BS, 128), blk),
        ],
        out_shape=[
            jax.ShapeDtypeStruct((S, D), jnp.float32),
            jax.ShapeDtypeStruct((S, D), jnp.float32),
            jax.ShapeDtypeStruct((S, 128), jnp.int32),
        ],
        scratch_shapes=[pltpu.VMEM((1, E), jnp.float32)],
        compiler_params=pltpu.CompilerParams(
            dimension_semantics=("arbitrary",)),
    )(attn_out, w_o, x, g2, router_w)


def _dispatch_sc(h2, idx):
    mesh = plsc.VectorSubcoreMesh(core_axis_name="c", subcore_axis_name="s")

    @functools.partial(
        pl.kernel,
        out_type=jax.ShapeDtypeStruct((ECP, D), jnp.float32),
        mesh=mesh,
        scratch_types=[
            pltpu.VMEM((_TPW,), jnp.int32),
            pltpu.VMEM((_TPW, D), jnp.float32),
            pltpu.SemaphoreType.DMA,
            pltpu.SemaphoreType.DMA,
        ],
    )
    def disp(h2_hbm, idx_hbm, buf_hbm, idx_v, rows_v, sem1, sem2):
        wid = lax.axis_index("s") * 2 + lax.axis_index("c")
        base = wid * _TPW
        c1 = pltpu.async_copy(idx_hbm.at[pl.ds(base, _TPW)], idx_v, sem1)
        c2 = pltpu.async_copy(h2_hbm.at[pl.ds(base, _TPW)], rows_v, sem2)
        c1.wait()
        c2.wait()
        pltpu.async_copy(rows_v, buf_hbm.at[idx_v], sem1).wait()

    return disp(h2, idx)


def _combine_sc(y, idx):
    mesh = plsc.VectorSubcoreMesh(core_axis_name="c", subcore_axis_name="s")

    @functools.partial(
        pl.kernel,
        out_type=jax.ShapeDtypeStruct((S, D), jnp.float32),
        mesh=mesh,
        scratch_types=[
            pltpu.VMEM((_TPW,), jnp.int32),
            pltpu.VMEM((_TPW, D), jnp.float32),
            pltpu.SemaphoreType.DMA,
        ],
    )
    def comb(y_hbm, idx_hbm, out_hbm, idx_v, rows_v, sem):
        wid = lax.axis_index("s") * 2 + lax.axis_index("c")
        base = wid * _TPW
        pltpu.sync_copy(idx_hbm.at[pl.ds(base, _TPW)], idx_v)
        pltpu.async_copy(y_hbm.at[idx_v], rows_v, sem).wait()
        pltpu.sync_copy(rows_v, out_hbm.at[pl.ds(base, _TPW)])

    return comb(y, idx)


def _ffn_body(buf_ref, wg_ref, wu_ref, wd_ref, y_ref):
    e = pl.program_id(0)

    @pl.when(e < E // EB)
    def _():
        for t in range(EB):
            b = buf_ref[t * CAP:(t + 1) * CAP, :]
            g = jnp.dot(b, wg_ref[t], preferred_element_type=jnp.float32)
            u = jnp.dot(b, wu_ref[t], preferred_element_type=jnp.float32)
            a = g * (1.0 / (1.0 + jnp.exp(-g))) * u
            y_ref[t * CAP:(t + 1) * CAP, :] = jnp.dot(
                a, wd_ref[t], preferred_element_type=jnp.float32)

    @pl.when(e == E // EB)
    def _():
        y_ref[...] = jnp.zeros_like(y_ref)


def _ffn(buf, w_gate, w_up, w_down):
    wspec = lambda e: (jnp.minimum(e, E // EB - 1), 0, 0)
    return pl.pallas_call(
        _ffn_body,
        grid=(E // EB + 1,),
        in_specs=[
            pl.BlockSpec((EB * CAP, D), lambda e: (e, 0)),
            pl.BlockSpec((EB, D, F), wspec),
            pl.BlockSpec((EB, D, F), wspec),
            pl.BlockSpec((EB, F, D), wspec),
        ],
        out_specs=pl.BlockSpec((EB * CAP, D), lambda e: (e, 0)),
        out_shape=jax.ShapeDtypeStruct((ECP, D), jnp.float32),
    )(buf, w_gate, w_up, w_down)


def _add_body(a_ref, b_ref, o_ref):
    o_ref[...] = a_ref[...] + b_ref[...]


def _residual_add(a, b):
    blk = lambda i: (i, 0)
    return pl.pallas_call(
        _add_body,
        grid=(NBLK,),
        in_specs=[pl.BlockSpec((BS, D), blk), pl.BlockSpec((BS, D), blk)],
        out_specs=pl.BlockSpec((BS, D), blk),
        out_shape=jax.ShapeDtypeStruct((S, D), jnp.float32),
    )(a, b)


def kernel(x, rms1_w, w_q, w_k, w_v, w_o, rms2_w, router_w, w_gate, w_up, w_down):
    x2 = x.reshape(S, D)
    g1 = rms1_w.reshape(1, D)
    g2 = rms2_w.reshape(1, D)

    q, k, v = _qkv(x2, w_q, w_k, w_v, g1)
    attn_out = _attention(q, k, v)
    xmid, h2, idx_b = _proj_route(attn_out, w_o, x2, g2, router_w)
    idx = idx_b[:, 0]

    buf = _dispatch_sc(h2, idx)
    y = _ffn(buf, w_gate, w_up, w_down)
    moe = _combine_sc(y, idx)

    out = _residual_add(xmid, moe)
    return out.reshape(1, S, D)

# --- scband reference (transcript-rebuilt; emitter-appended) ---
"""Pipeline reference for scband-block-78280073937290 (READ-ONLY COPY).

The authoritative reference and input builder live on the scoring server;
editing this copy changes nothing except your own understanding.
"""

import jax
import jax.numpy as jnp
import numpy as np
import math

B, S, D = 1, 2048, 768
N = 12; M = 12; H = 64
E = 64; K = 1; F = 768
ROPE_THETA = 1024.0
ROT_DIM = int(H * 0.5)
EPS = 1e-5
T = B * S
CAPACITY = int(math.ceil(T * K / E * 1.25))
STD = 0.02


def rms_norm(x, w, eps=EPS):
    var = jnp.mean(jnp.square(x.astype(jnp.float32)), axis=-1, keepdims=True)
    return (x * jax.lax.rsqrt(var + eps)).astype(x.dtype) * w


def qk_norm(x, eps=1e-6):
    var = jnp.mean(jnp.square(x.astype(jnp.float32)), axis=-1, keepdims=True)
    return (x * jax.lax.rsqrt(var + eps)).astype(x.dtype)


def rotary(q, k):
    half = ROT_DIM // 2
    inv_freq = 1.0 / ROPE_THETA ** (jnp.arange(0, half, dtype=jnp.float32) / half)
    pos = jnp.arange(S, dtype=jnp.float32)
    ang = pos[:, None] * inv_freq[None, :]
    cos = jnp.cos(ang)[None, :, None, :]
    sin = jnp.sin(ang)[None, :, None, :]
    def _apply(x):
        xr, xp = x[..., :ROT_DIM], x[..., ROT_DIM:]
        x1, x2 = jnp.split(xr, 2, axis=-1)
        xr = jnp.concatenate([x1 * cos - x2 * sin, x2 * cos + x1 * sin], axis=-1)
        return jnp.concatenate([xr, xp], axis=-1)
    return _apply(q), _apply(k)


def setup_inputs(seed: int = 0):
    key = jax.random.key(seed)
    ks = jax.random.split(key, 10)
    return {
        'x': jax.random.normal(ks[0], (B, S, D), jnp.float32),
        'rms1_w': jnp.ones((D,), jnp.float32),
        'w_q': STD * jax.random.normal(ks[1], (D, N * H), jnp.float32),
        'w_k': STD * jax.random.normal(ks[2], (D, M * H), jnp.float32),
        'w_v': STD * jax.random.normal(ks[3], (D, M * H), jnp.float32),
        'w_o': STD * jax.random.normal(ks[4], (N * H, D), jnp.float32),
        'rms2_w': jnp.ones((D,), jnp.float32),
        'router_w': STD * jax.random.normal(ks[5], (D, E), jnp.float32),
        'w_gate': STD * jax.random.normal(ks[6], (E, D, F), jnp.float32),
        'w_up': STD * jax.random.normal(ks[7], (E, D, F), jnp.float32),
        'w_down': STD * jax.random.normal(ks[8], (E, F, D), jnp.float32),
    }


def _forward(x, rms1_w, w_q, w_k, w_v, w_o, rms2_w, router_w, w_gate, w_up, w_down):
    # --- attention sub-block (pre-norm, qk-norm, partial rotary, causal) ---
    h = rms_norm(x, rms1_w)
    q = jnp.einsum('bsh,hd->bsd', h, w_q).reshape(B, S, N, H)
    k = jnp.einsum('bsh,hd->bsd', h, w_k).reshape(B, S, M, H)
    v = jnp.einsum('bsh,hd->bsd', h, w_v).reshape(B, S, M, H)
    q = qk_norm(q)
    k = qk_norm(k)
    q, k = rotary(q, k)
    scores = jnp.einsum('bqnd,bknd->bnqk', q, k) / math.sqrt(H)
    causal = jnp.tril(jnp.ones((S, S), dtype=bool))
    scores = jnp.where(causal[None, None, :, :], scores, -1e30)
    attn = jax.nn.softmax(scores, axis=-1)
    attn_out = jnp.einsum('bnqk,bknd->bqnd', attn, v).reshape(B, S, N * H)
    x = x + jnp.einsum('bsd,dh->bsh', attn_out, w_o)
    # --- MoE sub-block: top-k routing with expert capacity dispatch ---
    h2 = rms_norm(x, rms2_w).reshape(T, D)
    logits = h2 @ router_w
    probs = jax.nn.softmax(logits.astype(jnp.float32), axis=-1)
    topw, sel = jax.lax.top_k(probs, K)
    topw = topw / jnp.sum(topw, axis=-1, keepdims=True)
    sel_f = jnp.transpose(sel).reshape(K * T)          # slot-major flatten
    w_f = jnp.transpose(topw).reshape(K * T)
    oh = jax.nn.one_hot(sel_f, E, dtype=jnp.float32)
    pos = jnp.sum((jnp.cumsum(oh, axis=0) - 1.0) * oh, axis=1).astype(jnp.int32)
    keep = (pos < CAPACITY).astype(jnp.float32)
    pos_c = jnp.clip(pos, 0, CAPACITY - 1)
    x_rep = jnp.tile(h2, (K, 1))
    buf = jnp.zeros((E, CAPACITY, D), jnp.float32).at[sel_f, pos_c].add(x_rep * keep[:, None])
    gt = jnp.einsum('ecd,edf->ecf', buf, w_gate)
    up = jnp.einsum('ecd,edf->ecf', buf, w_up)
    y = jnp.einsum('ecf,efd->ecd', jax.nn.silu(gt) * up, w_down)
    gath = y[sel_f, pos_c]
    moe_out = jnp.sum((gath * (w_f * keep)[:, None]).reshape(K, T, D), axis=0)
    return x + moe_out.reshape(B, S, D)


def reference(x, rms1_w, w_q, w_k, w_v, w_o, rms2_w, router_w, w_gate, w_up, w_down):
    return _forward(x, rms1_w, w_q, w_k, w_v, w_o, rms2_w, router_w, w_gate, w_up, w_down)

if __name__ == "__main__":
    import jax
    _d = setup_inputs()
    print(jax.jit(kernel)(*tuple(_d.values())))

</pallas_src>

<mosaic_0001>
#map = affine_map<(d0, d1) -> (0, 0)>
#map1 = affine_map<(d0, d1) -> (0)>
module attributes {stable_mosaic.version = 14 : i64} {
  func.func @comb(%arg0: i32, %arg1: i32, %arg2: memref<2600x768xf32, #tpu.memory_space<hbm>>, %arg3: memref<2048xi32, #tpu.memory_space<hbm>>, %arg4: memref<2048x768xf32, #tpu.memory_space<hbm>>, %arg5: memref<64xi32, #tpu.memory_space<vmem>>, %arg6: memref<64x768xf32, #tpu.memory_space<vmem>>, %arg7: memref<!tpu.dma_semaphore, #tpu.memory_space<semaphore_mem>>) attributes {dimension_semantics = [#tpu.dimension_semantics<core_parallel>, #tpu.dimension_semantics<subcore_parallel>], iteration_bounds = array<i64: 2, 16>, scalar_prefetch = 0 : i64, scratch_operands = 3 : i64, tpu.core_type = #tpu.core_type<sc_vector_subcore>, window_params = [{transform_indices = #map}, {transform_indices = #map1}, {transform_indices = #map}]} {
    %mul3A = arith.constant 2 : i32
    %mul3A_0 = arith.muli %arg1, %mul3A : i32
    %add3A = arith.addi %mul3A_0, %arg0 : i32
    %mul3A_1 = arith.constant 64 : i32
    %mul3A_2 = arith.muli %add3A, %mul3A_1 : i32
    "tpu.region"() ({
      %run_scoped3A = tpu.sem_alloc : memref<!tpu.dma_semaphore, #tpu.memory_space<semaphore_mem>>
      %dma_start3A_7 = tpu.memref_slice %arg3[%mul3A_2] : memref<2048xi32, #tpu.memory_space<hbm>> -> memref<64xi32, #tpu.memory_space<hbm>>
      %dma_start3A_8 = tpu.memref_slice %arg3[%mul3A_2] : memref<2048xi32, #tpu.memory_space<hbm>> -> memref<64xi32, #tpu.memory_space<hbm>>
      tpu.enqueue_dma source(%dma_start3A_8 : memref<64xi32, #tpu.memory_space<hbm>>) target(%arg5 : memref<64xi32, #tpu.memory_space<vmem>>) target_semaphore(%run_scoped3A : memref<!tpu.dma_semaphore, #tpu.memory_space<semaphore_mem>>)
      %dma_wait3A_9 = tpu.memref_slice %arg3[%mul3A_2] : memref<2048xi32, #tpu.memory_space<hbm>> -> memref<64xi32, #tpu.memory_space<hbm>>
      %dma_wait3A_10 = tpu.memref_slice %arg3[%mul3A_2] : memref<2048xi32, #tpu.memory_space<hbm>> -> memref<64xi32, #tpu.memory_space<hbm>>
      tpu.wait_dma2 semaphore(%run_scoped3A : memref<!tpu.dma_semaphore, #tpu.memory_space<semaphore_mem>>) src(%dma_wait3A_10 : memref<64xi32, #tpu.memory_space<hbm>>) dst(%arg5 : memref<64xi32, #tpu.memory_space<vmem>>)
      tpu.yield
    }) : () -> ()
    %dma_start3A = arith.constant 0 : i32
    %dma_start3A_3 = arith.constant 0 : i32
    %dma_start3A_4 = tpu.memref_slice %arg2[%dma_start3A, %dma_start3A_3] : memref<2600x768xf32, #tpu.memory_space<hbm>> -> memref<2600x768xf32, #tpu.memory_space<hbm>>
    tpu.enqueue_indirect_dma source(%dma_start3A_4 : memref<2600x768xf32, #tpu.memory_space<hbm>>) target(%arg6 : memref<64x768xf32, #tpu.memory_space<vmem>>) offsets(%arg5 : memref<64xi32, #tpu.memory_space<vmem>>) semaphore(%arg7 : memref<!tpu.dma_semaphore, #tpu.memory_space<semaphore_mem>>)
    %dma_wait3A = arith.constant 0 : i32
    %dma_wait3A_5 = arith.constant 0 : i32
    %dma_wait3A_6 = tpu.memref_slice %arg2[%dma_wait3A, %dma_wait3A_5] : memref<2600x768xf32, #tpu.memory_space<hbm>> -> memref<2600x768xf32, #tpu.memory_space<hbm>>
    tpu.wait_indirect_dma semaphore(%arg7 : memref<!tpu.dma_semaphore, #tpu.memory_space<semaphore_mem>>) src(%dma_wait3A_6 : memref<2600x768xf32, #tpu.memory_space<hbm>>) dst(%arg6 : memref<64x768xf32, #tpu.memory_space<vmem>>)
    "tpu.region"() ({
      %run_scoped3A = tpu.sem_alloc : memref<!tpu.dma_semaphore, #tpu.memory_space<semaphore_mem>>
      %dma_start3A_7 = arith.constant 0 : i32
      %dma_start3A_8 = tpu.memref_slice %arg4[%mul3A_2, %dma_start3A_7] : memref<2048x768xf32, #tpu.memory_space<hbm>> -> memref<64x768xf32, #tpu.memory_space<hbm>>
      %dma_start3A_9 = arith.constant 0 : i32
      %dma_start3A_10 = tpu.memref_slice %arg4[%mul3A_2, %dma_start3A_9] : memref<2048x768xf32, #tpu.memory_space<hbm>> -> memref<64x768xf32, #tpu.memory_space<hbm>>
      tpu.enqueue_dma source(%arg6 : memref<64x768xf32, #tpu.memory_space<vmem>>) target(%dma_start3A_10 : memref<64x768xf32, #tpu.memory_space<hbm>>) target_semaphore(%run_scoped3A : memref<!tpu.dma_semaphore, #tpu.memory_space<semaphore_mem>>)
      %dma_wait3A_11 = arith.constant 0 : i32
      %dma_wait3A_12 = tpu.memref_slice %arg4[%mul3A_2, %dma_wait3A_11] : memref<2048x768xf32, #tpu.memory_space<hbm>> -> memref<64x768xf32, #tpu.memory_space<hbm>>
      %dma_wait3A_13 = arith.constant 0 : i32
      %dma_wait3A_14 = tpu.memref_slice %arg4[%mul3A_2, %dma_wait3A_13] : memref<2048x768xf32, #tpu.memory_space<hbm>> -> memref<64x768xf32, #tpu.memory_space<hbm>>
      tpu.wait_dma2 semaphore(%run_scoped3A : memref<!tpu.dma_semaphore, #tpu.memory_space<semaphore_mem>>) src(%arg6 : memref<64x768xf32, #tpu.memory_space<vmem>>) dst(%dma_wait3A_14 : memref<64x768xf32, #tpu.memory_space<hbm>>)
      tpu.yield
    }) : () -> ()
    return
  }
}

#map = affine_map<(d0, d1) -> (0, 0)>
#map1 = affine_map<(d0, d1) -> (0)>
module attributes {stable_mosaic.version = 14 : i64} {
  func.func @disp(%arg0: i32, %arg1: i32, %arg2: memref<2048x768xf32, #tpu.memory_space<hbm>>, %arg3: memref<2048xi32, #tpu.memory_space<hbm>>, %arg4: memref<2600x768xf32, #tpu.memory_space<hbm>>, %arg5: memref<64xi32, #tpu.memory_space<vmem>>, %arg6: memref<64x768xf32, #tpu.memory_space<vmem>>, %arg7: memref<!tpu.dma_semaphore, #tpu.memory_space<semaphore_mem>>, %arg8: memref<!tpu.dma_semaphore, #tpu.memory_space<semaphore_mem>>) attributes {dimension_semantics = [#tpu.dimension_semantics<core_parallel>, #tpu.dimension_semantics<subcore_parallel>], iteration_bounds = array<i64: 2, 16>, scalar_prefetch = 0 : i64, scratch_operands = 4 : i64, tpu.core_type = #tpu.core_type<sc_vector_subcore>, window_params = [{transform_indices = #map}, {transform_indices = #map1}, {transform_indices = #map}]} {
    %mul3A = arith.constant 2 : i32
    %mul3A_0 = arith.muli %arg1, %mul3A : i32
    %add3A = arith.addi %mul3A_0, %arg0 : i32
    %mul3A_1 = arith.constant 64 : i32
    %mul3A_2 = arith.muli %add3A, %mul3A_1 : i32
    %dma_start3A = tpu.memref_slice %arg3[%mul3A_2] : memref<2048xi32, #tpu.memory_space<hbm>> -> memref<64xi32, #tpu.memory_space<hbm>>
    %dma_start3A_3 = tpu.memref_slice %arg3[%mul3A_2] : memref<2048xi32, #tpu.memory_space<hbm>> -> memref<64xi32, #tpu.memory_space<hbm>>
    tpu.enqueue_dma source(%dma_start3A_3 : memref<64xi32, #tpu.memory_space<hbm>>) target(%arg5 : memref<64xi32, #tpu.memory_space<vmem>>) target_semaphore(%arg7 : memref<!tpu.dma_semaphore, #tpu.memory_space<semaphore_mem>>)
    %dma_start3A_4 = arith.constant 0 : i32
    %dma_start3A_5 = tpu.memref_slice %arg2[%mul3A_2, %dma_start3A_4] : memref<2048x768xf32, #tpu.memory_space<hbm>> -> memref<64x768xf32, #tpu.memory_space<hbm>>
    %dma_start3A_6 = arith.constant 0 : i32
    %dma_start3A_7 = tpu.memref_slice %arg2[%mul3A_2, %dma_start3A_6] : memref<2048x768xf32, #tpu.memory_space<hbm>> -> memref<64x768xf32, #tpu.memory_space<hbm>>
    tpu.enqueue_dma source(%dma_start3A_7 : memref<64x768xf32, #tpu.memory_space<hbm>>) target(%arg6 : memref<64x768xf32, #tpu.memory_space<vmem>>) target_semaphore(%arg8 : memref<!tpu.dma_semaphore, #tpu.memory_space<semaphore_mem>>)
    %dma_wait3A = tpu.memref_slice %arg3[%mul3A_2] : memref<2048xi32, #tpu.memory_space<hbm>> -> memref<64xi32, #tpu.memory_space<hbm>>
    %dma_wait3A_8 = tpu.memref_slice %arg3[%mul3A_2] : memref<2048xi32, #tpu.memory_space<hbm>> -> memref<64xi32, #tpu.memory_space<hbm>>
    tpu.wait_dma2 semaphore(%arg7 : memref<!tpu.dma_semaphore, #tpu.memory_space<semaphore_mem>>) src(%dma_wait3A_8 : memref<64xi32, #tpu.memory_space<hbm>>) dst(%arg5 : memref<64xi32, #tpu.memory_space<vmem>>)
    %dma_wait3A_9 = arith.constant 0 : i32
    %dma_wait3A_10 = tpu.memref_slice %arg2[%mul3A_2, %dma_wait3A_9] : memref<2048x768xf32, #tpu.memory_space<hbm>> -> memref<64x768xf32, #tpu.memory_space<hbm>>
    %dma_wait3A_11 = arith.constant 0 : i32
    %dma_wait3A_12 = tpu.memref_slice %arg2[%mul3A_2, %dma_wait3A_11] : memref<2048x768xf32, #tpu.memory_space<hbm>> -> memref<64x768xf32, #tpu.memory_space<hbm>>
    tpu.wait_dma2 semaphore(%arg8 : memref<!tpu.dma_semaphore, #tpu.memory_space<semaphore_mem>>) src(%dma_wait3A_12 : memref<64x768xf32, #tpu.memory_space<hbm>>) dst(%arg6 : memref<64x768xf32, #tpu.memory_space<vmem>>)
    %dma_start3A_13 = arith.constant 0 : i32
    %dma_start3A_14 = arith.constant 0 : i32
    %dma_start3A_15 = tpu.memref_slice %arg4[%dma_start3A_13, %dma_start3A_14] : memref<2600x768xf32, #tpu.memory_space<hbm>> -> memref<2600x768xf32, #tpu.memory_space<hbm>>
    tpu.enqueue_indirect_dma source(%arg6 : memref<64x768xf32, #tpu.memory_space<vmem>>) target(%dma_start3A_15 : memref<2600x768xf32, #tpu.memory_space<hbm>>) offsets(%arg5 : memref<64xi32, #tpu.memory_space<vmem>>) semaphore(%arg7 : memref<!tpu.dma_semaphore, #tpu.memory_space<semaphore_mem>>)
    %dma_wait3A_16 = arith.constant 0 : i32
    %dma_wait3A_17 = arith.constant 0 : i32
    %dma_wait3A_18 = tpu.memref_slice %arg4[%dma_wait3A_16, %dma_wait3A_17] : memref<2600x768xf32, #tpu.memory_space<hbm>> -> memref<2600x768xf32, #tpu.memory_space<hbm>>
    tpu.wait_indirect_dma semaphore(%arg7 : memref<!tpu.dma_semaphore, #tpu.memory_space<semaphore_mem>>) src(%arg6 : memref<64x768xf32, #tpu.memory_space<vmem>>) dst(%dma_wait3A_18 : memref<2600x768xf32, #tpu.memory_space<hbm>>)
    return
  }
}

module attributes {stable_mosaic.version = 14 : i64} {
  func.func @_qkv_body(%arg0: i32, %arg1: memref<1024x768xf32, #tpu.memory_space<vmem>>, %arg2: memref<768x768xf32, #tpu.memory_space<vmem>>, %arg3: memref<768x768xf32, #tpu.memory_space<vmem>>, %arg4: memref<768x768xf32, #tpu.memory_space<vmem>>, %arg5: memref<1x768xf32, #tpu.memory_space<vmem>>, %arg6: memref<1024x768xf32, #tpu.memory_space<vmem>>, %arg7: memref<1024x768xf32, #tpu.memory_space<vmem>>, %arg8: memref<1024x768xf32, #tpu.memory_space<vmem>>) attributes {dimension_semantics = [#tpu.dimension_semantics<arbitrary>], iteration_bounds = array<i64: 2>, scalar_prefetch = 0 : i64, scratch_operands = 0 : i64, tpu.core_type = #tpu.core_type<tc>, window_params = [{transform_indices = @transform_0, window_bounds = array<i64: 1024, 768>}, {pipeline_mode = #tpu.pipeline_mode<synchronous>, transform_indices = @transform_1, window_bounds = array<i64: 768, 768>}, {pipeline_mode = #tpu.pipeline_mode<synchronous>, transform_indices = @transform_2, window_bounds = array<i64: 768, 768>}, {pipeline_mode = #tpu.pipeline_mode<synchronous>, transform_indices = @transform_3, window_bounds = array<i64: 768, 768>}, {pipeline_mode = #tpu.pipeline_mode<synchronous>, transform_indices = @transform_4, window_bounds = array<i64: 1, 768>}, {transform_indices = @transform_5, window_bounds = array<i64: 1024, 768>}, {transform_indices = @transform_6, window_bounds = array<i64: 1024, 768>}, {transform_indices = @transform_7, window_bounds = array<i64: 1024, 768>}]} {
    %get3A = arith.constant 0 : index
    %get3A_0 = arith.constant 0 : index
    %get3A_1 = vector.load %arg1[%get3A, %get3A_0] : memref<1024x768xf32, #tpu.memory_space<vmem>>, vector<1024x768xf32>
    %mul3A = arith.mulf %get3A_1, %get3A_1 : vector<1024x768xf32>
    %reduce_sum3A = arith.constant dense<0.000000e+00> : vector<1024xf32>
    %reduce_sum3A_2 = vector.multi_reduction <add>, %mul3A, %reduce_sum3A [1] : vector<1024x768xf32> to vector<1024xf32>
    %broadcast_in_dim3A = vector.shape_cast %reduce_sum3A_2 : vector<1024xf32> to vector<1024x1xf32>
    %div3A = arith.constant 7.680000e+02 : f32
    %div3A_3 = vector.broadcast %div3A : f32 to vector<1024x1xf32>
    %div3A_4 = arith.divf %broadcast_in_dim3A, %div3A_3 : vector<1024x1xf32>
    %add3A = arith.constant 9.99999974E-6 : f32
    %add3A_5 = vector.broadcast %add3A : f32 to vector<1024x1xf32>
    %add3A_6 = arith.addf %div3A_4, %add3A_5 : vector<1024x1xf32>
    %rsqrt3A = math.rsqrt %add3A_6 : vector<1024x1xf32>
    %mul3A_7 = vector.broadcast %rsqrt3A : vector<1024x1xf32> to vector<1024x768xf32>
    %mul3A_8 = arith.mulf %get3A_1, %mul3A_7 : vector<1024x768xf32>
    %get3A_9 = arith.constant 0 : index
    %get3A_10 = arith.constant 0 : index
    %get3A_11 = vector.load %arg5[%get3A_9, %get3A_10] : memref<1x768xf32, #tpu.memory_space<vmem>>, vector<1x768xf32>
    %mul3A_12 = vector.broadcast %get3A_11 : vector<1x768xf32> to vector<1024x768xf32>
    %mul3A_13 = arith.mulf %mul3A_8, %mul3A_12 : vector<1024x768xf32>
    %get3A_14 = arith.constant 0 : index
    %get3A_15 = arith.constant 0 : index
    %get3A_16 = vector.load %arg2[%get3A_14, %get3A_15] : memref<768x768xf32, #tpu.memory_space<vmem>>, vector<768x768xf32>
    %dot_general3A = arith.constant dense<0.000000e+00> : vector<1024x768xf32>
    %dot_general3A_17 = tpu.matmul %mul3A_13, %get3A_16, %dot_general3A {dimension_numbers = #tpu.dot_dimension_numbers<[1], [0], [0], [1], [0, 0, 1, 1], [], []>, transpose_lhs_hint = false} : vector<1024x768xf32>, vector<768x768xf32>, vector<1024x768xf32> -> vector<1024x768xf32>
    %get3A_18 = arith.constant 0 : index
    %get3A_19 = arith.constant 0 : index
    %get3A_20 = vector.load %arg3[%get3A_18, %get3A_19] : memref<768x768xf32, #tpu.memory_space<vmem>>, vector<768x768xf32>
    %dot_general3A_21 = arith.constant dense<0.000000e+00> : vector<1024x768xf32>
    %dot_general3A_22 = tpu.matmul %mul3A_13, %get3A_20, %dot_general3A_21 {dimension_numbers = #tpu.dot_dimension_numbers<[1], [0], [0], [1], [0, 0, 1, 1], [], []>, transpose_lhs_hint = false} : vector<1024x768xf32>, vector<768x768xf32>, vector<1024x768xf32> -> vector<1024x768xf32>
    %get3A_23 = arith.constant 0 : index
    %get3A_24 = arith.constant 0 : index
    %get3A_25 = vector.load %arg4[%get3A_23, %get3A_24] : memref<768x768xf32, #tpu.memory_space<vmem>>, vector<768x768xf32>
    %dot_general3A_26 = arith.constant dense<0.000000e+00> : vector<1024x768xf32>
    %dot_general3A_27 = tpu.matmul %mul3A_13, %get3A_25, %dot_general3A_26 {dimension_numbers = #tpu.dot_dimension_numbers<[1], [0], [0], [1], [0, 0, 1, 1], [], []>, transpose_lhs_hint = false} : vector<1024x768xf32>, vector<768x768xf32>, vector<1024x768xf32> -> vector<1024x768xf32>
    %iota3A = tpu.iota {dimensions = array<i32: 0>} : vector<768x12xi32>
    %iota3A_28 = tpu.iota {dimensions = array<i32: 1>} : vector<768x12xi32>
    %jit3A = arith.constant 64 : i32
    %div3A_29 = vector.broadcast %jit3A : i32 to vector<768x12xi32>
    %div3A_30 = arith.divsi %iota3A, %div3A_29 : vector<768x12xi32>
    %sign3A = arith.constant 0 : i32
    %sign3A_31 = vector.broadcast %sign3A : i32 to vector<768x12xi32>
    %sign3A_32 = arith.cmpi sgt, %iota3A, %sign3A_31 : vector<768x12xi32>
    %sign3A_33 = arith.extui %sign3A_32 : vector<768x12xi1> to vector<768x12xi32>
    %sign3A_34 = arith.constant 0 : i32
    %sign3A_35 = vector.broadcast %sign3A_34 : i32 to vector<768x12xi32>
    %sign3A_36 = arith.cmpi slt, %iota3A, %sign3A_35 : vector<768x12xi32>
    %sign3A_37 = arith.extui %sign3A_36 : vector<768x12xi1> to vector<768x12xi32>
    %sign3A_38 = arith.subi %sign3A_33, %sign3A_37 : vector<768x12xi32>
    %sign3A_39 = arith.constant 0 : i32
    %sign3A_40 = arith.cmpi sgt, %jit3A, %sign3A_39 : i32
    %sign3A_41 = arith.extui %sign3A_40 : i1 to i32
    %sign3A_42 = arith.constant 0 : i32
    %sign3A_43 = arith.cmpi slt, %jit3A, %sign3A_42 : i32
    %sign3A_44 = arith.extui %sign3A_43 : i1 to i32
    %sign3A_45 = arith.subi %sign3A_41, %sign3A_44 : i32
    %ne3A = vector.broadcast %sign3A_45 : i32 to vector<768x12xi32>
    %ne3A_46 = arith.cmpi ne, %sign3A_38, %ne3A : vector<768x12xi32>
    %rem3A = vector.broadcast %jit3A : i32 to vector<768x12xi32>
    %rem3A_47 = arith.remsi %iota3A, %rem3A : vector<768x12xi32>
    %ne3A_48 = arith.constant 0 : i32
    %ne3A_49 = vector.broadcast %ne3A_48 : i32 to vector<768x12xi32>
    %ne3A_50 = arith.cmpi ne, %rem3A_47, %ne3A_49 : vector<768x12xi32>
    %and3A = arith.andi %ne3A_46, %ne3A_50 : vector<768x12xi1>
    %sub3A = arith.constant 1 : i32
    %sub3A_51 = vector.broadcast %sub3A : i32 to vector<768x12xi32>
    %sub3A_52 = arith.subi %div3A_30, %sub3A_51 : vector<768x12xi32>
    %select_n3A = arith.select %and3A, %sub3A_52, %div3A_30 : vector<768x12xi1>, vector<768x12xi32>
    %eq3A = arith.cmpi eq, %select_n3A, %iota3A_28 : vector<768x12xi32>
    %convert_element_type3A = arith.extui %eq3A : vector<768x12xi1> to vector<768x12xi32>
    %convert_element_type3A_53 = arith.sitofp %convert_element_type3A : vector<768x12xi32> to vector<768x12xf32>
    %iota3A_54 = tpu.iota {dimensions = array<i32: 0>} : vector<12x768xi32>
    %iota3A_55 = tpu.iota {dimensions = array<i32: 1>} : vector<12x768xi32>
    %jit3A_56 = arith.constant 64 : i32
    %div3A_57 = vector.broadcast %jit3A_56 : i32 to vector<12x768xi32>
    %div3A_58 = arith.divsi %iota3A_55, %div3A_57 : vector<12x768xi32>
    %sign3A_59 = arith.constant 0 : i32
    %sign3A_60 = vector.broadcast %sign3A_59 : i32 to vector<12x768xi32>
    %sign3A_61 = arith.cmpi sgt, %iota3A_55, %sign3A_60 : vector<12x768xi32>
    %sign3A_62 = arith.extui %sign3A_61 : vector<12x768xi1> to vector<12x768xi32>
    %sign3A_63 = arith.constant 0 : i32
    %sign3A_64 = vector.broadcast %sign3A_63 : i32 to vector<12x768xi32>
    %sign3A_65 = arith.cmpi slt, %iota3A_55, %sign3A_64 : vector<12x768xi32>
    %sign3A_66 = arith.extui %sign3A_65 : vector<12x768xi1> to vector<12x768xi32>
    %sign3A_67 = arith.subi %sign3A_62, %sign3A_66 : vector<12x768xi32>
    %sign3A_68 = arith.constant 0 : i32
    %sign3A_69 = arith.cmpi sgt, %jit3A_56, %sign3A_68 : i32
    %sign3A_70 = arith.extui %sign3A_69 : i1 to i32
    %sign3A_71 = arith.constant 0 : i32
    %sign3A_72 = arith.cmpi slt, %jit3A_56, %sign3A_71 : i32
    %sign3A_73 = arith.extui %sign3A_72 : i1 to i32
    %sign3A_74 = arith.subi %sign3A_70, %sign3A_73 : i32
    %ne3A_75 = vector.broadcast %sign3A_74 : i32 to vector<12x768xi32>
    %ne3A_76 = arith.cmpi ne, %sign3A_67, %ne3A_75 : vector<12x768xi32>
    %rem3A_77 = vector.broadcast %jit3A_56 : i32 to vector<12x768xi32>
    %rem3A_78 = arith.remsi %iota3A_55, %rem3A_77 : vector<12x768xi32>
    %ne3A_79 = arith.constant 0 : i32
    %ne3A_80 = vector.broadcast %ne3A_79 : i32 to vector<12x768xi32>
    %ne3A_81 = arith.cmpi ne, %rem3A_78, %ne3A_80 : vector<12x768xi32>
    %and3A_82 = arith.andi %ne3A_76, %ne3A_81 : vector<12x768xi1>
    %sub3A_83 = arith.constant 1 : i32
    %sub3A_84 = vector.broadcast %sub3A_83 : i32 to vector<12x768xi32>
    %sub3A_85 = arith.subi %div3A_58, %sub3A_84 : vector<12x768xi32>
    %select_n3A_86 = arith.select %and3A_82, %sub3A_85, %div3A_58 : vector<12x768xi1>, vector<12x768xi32>
    %eq3A_87 = arith.cmpi eq, %select_n3A_86, %iota3A_54 : vector<12x768xi32>
    %convert_element_type3A_88 = arith.extui %eq3A_87 : vector<12x768xi1> to vector<12x768xi32>
    %convert_element_type3A_89 = arith.sitofp %convert_element_type3A_88 : vector<12x768xi32> to vector<12x768xf32>
    %mul3A_90 = arith.mulf %dot_general3A_17, %dot_general3A_17 : vector<1024x768xf32>
    %dot_general3A_91 = arith.constant dense<0.000000e+00> : vector<1024x12xf32>
    %dot_general3A_92 = tpu.matmul %mul3A_90, %convert_element_type3A_53, %dot_general3A_91 {dimension_numbers = #tpu.dot_dimension_numbers<[1], [0], [0], [1], [0, 0, 1, 1], [], []>, transpose_lhs_hint = false} : vector<1024x768xf32>, vector<768x12xf32>, vector<1024x12xf32> -> vector<1024x12xf32>
    %mul3A_93 = arith.constant 1.562500e-02 : f32
    %mul3A_94 = vector.broadcast %mul3A_93 : f32 to vector<1024x12xf32>
    %mul3A_95 = arith.mulf %dot_general3A_92, %mul3A_94 : vector<1024x12xf32>
    %add3A_96 = arith.constant 9.99999997E-7 : f32
    %add3A_97 = vector.broadcast %add3A_96 : f32 to vector<1024x12xf32>
    %add3A_98 = arith.addf %mul3A_95, %add3A_97 : vector<1024x12xf32>
    %rsqrt3A_99 = math.rsqrt %add3A_98 : vector<1024x12xf32>
    %dot_general3A_100 = arith.constant dense<0.000000e+00> : vector<1024x768xf32>
    %dot_general3A_101 = tpu.matmul %rsqrt3A_99, %convert_element_type3A_89, %dot_general3A_100 {dimension_numbers = #tpu.dot_dimension_numbers<[1], [0], [0], [1], [0, 0, 1, 1], [], []>, transpose_lhs_hint = false} : vector<1024x12xf32>, vector<12x768xf32>, vector<1024x768xf32> -> vector<1024x768xf32>
    %mul3A_102 = arith.mulf %dot_general3A_17, %dot_general3A_101 : vector<1024x768xf32>
    %mul3A_103 = arith.mulf %dot_general3A_22, %dot_general3A_22 : vector<1024x768xf32>
    %dot_general3A_104 = arith.constant dense<0.000000e+00> : vector<1024x12xf32>
    %dot_general3A_105 = tpu.matmul %mul3A_103, %convert_element_type3A_53, %dot_general3A_104 {dimension_numbers = #tpu.dot_dimension_numbers<[1], [0], [0], [1], [0, 0, 1, 1], [], []>, transpose_lhs_hint = false} : vector<1024x768xf32>, vector<768x12xf32>, vector<1024x12xf32> -> vector<1024x12xf32>
    %mul3A_106 = arith.constant 1.562500e-02 : f32
    %mul3A_107 = vector.broadcast %mul3A_106 : f32 to vector<1024x12xf32>
    %mul3A_108 = arith.mulf %dot_general3A_105, %mul3A_107 : vector<1024x12xf32>
    %add3A_109 = arith.constant 9.99999997E-7 : f32
    %add3A_110 = vector.broadcast %add3A_109 : f32 to vector<1024x12xf32>
    %add3A_111 = arith.addf %mul3A_108, %add3A_110 : vector<1024x12xf32>
    %rsqrt3A_112 = math.rsqrt %add3A_111 : vector<1024x12xf32>
    %dot_general3A_113 = arith.constant dense<0.000000e+00> : vector<1024x768xf32>
    %dot_general3A_114 = tpu.matmul %rsqrt3A_112, %convert_element_type3A_89, %dot_general3A_113 {dimension_numbers = #tpu.dot_dimension_numbers<[1], [0], [0], [1], [0, 0, 1, 1], [], []>, transpose_lhs_hint = false} : vector<1024x12xf32>, vector<12x768xf32>, vector<1024x768xf32> -> vector<1024x768xf32>
    %mul3A_115 = arith.mulf %dot_general3A_22, %dot_general3A_114 : vector<1024x768xf32>
    %iota3A_116 = tpu.iota {dimensions = array<i32: 0>} : vector<1024x768xi32>
    %mul3A_117 = arith.constant 1024 : i32
    %mul3A_118 = arith.muli %arg0, %mul3A_117 : i32
    %add3A_119 = vector.broadcast %mul3A_118 : i32 to vector<1024x768xi32>
    %add3A_120 = arith.addi %iota3A_116, %add3A_119 : vector<1024x768xi32>
    %convert_element_type3A_121 = arith.sitofp %add3A_120 : vector<1024x768xi32> to vector<1024x768xf32>
    %iota3A_122 = tpu.iota {dimensions = array<i32: 1>} : vector<1024x768xi32>
    %jit3A_123 = arith.constant 64 : i32
    %eq3A_124 = arith.constant 0 : i32
    %eq3A_125 = arith.cmpi eq, %jit3A_123, %eq3A_124 : i32
    %jit3A_126 = arith.constant 1 : i32
    %select_n3A_127 = arith.select %eq3A_125, %jit3A_126, %jit3A_123 : i32
    %rem3A_128 = vector.broadcast %select_n3A_127 : i32 to vector<1024x768xi32>
    %rem3A_129 = arith.remsi %iota3A_122, %rem3A_128 : vector<1024x768xi32>
    %ne3A_130 = arith.constant 0 : i32
    %ne3A_131 = vector.broadcast %ne3A_130 : i32 to vector<1024x768xi32>
    %ne3A_132 = arith.cmpi ne, %rem3A_129, %ne3A_131 : vector<1024x768xi32>
    %lt3A = arith.constant 0 : i32
    %lt3A_133 = vector.broadcast %lt3A : i32 to vector<1024x768xi32>
    %lt3A_134 = arith.cmpi slt, %rem3A_129, %lt3A_133 : vector<1024x768xi32>
    %lt3A_135 = arith.constant 0 : i32
    %lt3A_136 = arith.cmpi slt, %select_n3A_127, %lt3A_135 : i32
    %ne3A_137 = vector.broadcast %lt3A_136 : i1 to vector<1024x768xi1>
    %ne3A_138 = vector.broadcast %ne3A_137 : vector<1024x768xi1> to vector<1024x768xi1>
    %ne3A_139 = arith.xori %lt3A_134, %ne3A_138 : vector<1024x768xi1>
    %and3A_140 = arith.andi %ne3A_139, %ne3A_132 : vector<1024x768xi1>
    %add3A_141 = vector.broadcast %select_n3A_127 : i32 to vector<1024x768xi32>
    %add3A_142 = arith.addi %rem3A_129, %add3A_141 : vector<1024x768xi32>
    %select_n3A_143 = arith.select %and3A_140, %add3A_142, %rem3A_129 : vector<1024x768xi1>, vector<1024x768xi32>
    %jit3A_144 = arith.constant 16 : i32
    %eq3A_145 = arith.constant 0 : i32
    %eq3A_146 = arith.cmpi eq, %jit3A_144, %eq3A_145 : i32
    %jit3A_147 = arith.constant 1 : i32
    %select_n3A_148 = arith.select %eq3A_146, %jit3A_147, %jit3A_144 : i32
    %rem3A_149 = vector.broadcast %select_n3A_148 : i32 to vector<1024x768xi32>
    %rem3A_150 = arith.remsi %select_n3A_143, %rem3A_149 : vector<1024x768xi32>
    %ne3A_151 = arith.constant 0 : i32
    %ne3A_152 = vector.broadcast %ne3A_151 : i32 to vector<1024x768xi32>
    %ne3A_153 = arith.cmpi ne, %rem3A_150, %ne3A_152 : vector<1024x768xi32>
    %lt3A_154 = arith.constant 0 : i32
    %lt3A_155 = vector.broadcast %lt3A_154 : i32 to vector<1024x768xi32>
    %lt3A_156 = arith.cmpi slt, %rem3A_150, %lt3A_155 : vector<1024x768xi32>
    %lt3A_157 = arith.constant 0 : i32
    %lt3A_158 = arith.cmpi slt, %select_n3A_148, %lt3A_157 : i32
    %ne3A_159 = vector.broadcast %lt3A_158 : i1 to vector<1024x768xi1>
    %ne3A_160 = vector.broadcast %ne3A_159 : vector<1024x768xi1> to vector<1024x768xi1>
    %ne3A_161 = arith.xori %lt3A_156, %ne3A_160 : vector<1024x768xi1>
    %and3A_162 = arith.andi %ne3A_161, %ne3A_153 : vector<1024x768xi1>
    %add3A_163 = vector.broadcast %select_n3A_148 : i32 to vector<1024x768xi32>
    %add3A_164 = arith.addi %rem3A_150, %add3A_163 : vector<1024x768xi32>
    %select_n3A_165 = arith.select %and3A_162, %add3A_164, %rem3A_150 : vector<1024x768xi1>, vector<1024x768xi32>
    %convert_element_type3A_166 = arith.sitofp %select_n3A_165 : vector<1024x768xi32> to vector<1024x768xf32>
    %mul3A_167 = arith.constant -4.332170e-01 : f32
    %mul3A_168 = vector.broadcast %mul3A_167 : f32 to vector<1024x768xf32>
    %mul3A_169 = arith.mulf %convert_element_type3A_166, %mul3A_168 : vector<1024x768xf32>
    %exp3A = math.exp %mul3A_169 : vector<1024x768xf32>
    %mul3A_170 = arith.mulf %convert_element_type3A_121, %exp3A : vector<1024x768xf32>
    %lt3A_171 = arith.constant 32 : i32
    %lt3A_172 = vector.broadcast %lt3A_171 : i32 to vector<1024x768xi32>
    %lt3A_173 = arith.cmpi slt, %select_n3A_143, %lt3A_172 : vector<1024x768xi32>
    %cos3A = math.cos %mul3A_170 : vector<1024x768xf32>
    %jit3A_174 = arith.constant 1.000000e+00 : f32
    %broadcast_in_dim3A_175 = vector.broadcast %jit3A_174 : f32 to vector<1024x768xf32>
    %select_n3A_176 = arith.select %lt3A_173, %cos3A, %broadcast_in_dim3A_175 : vector<1024x768xi1>, vector<1024x768xf32>
    %sin3A = math.sin %mul3A_170 : vector<1024x768xf32>
    %jit3A_177 = arith.constant 0.000000e+00 : f32
    %broadcast_in_dim3A_178 = vector.broadcast %jit3A_177 : f32 to vector<1024x768xf32>
    %select_n3A_179 = arith.select %lt3A_173, %sin3A, %broadcast_in_dim3A_178 : vector<1024x768xi1>, vector<1024x768xf32>
    %iota3A_180 = tpu.iota {dimensions = array<i32: 0>} : vector<768x768xi32>
    %iota3A_181 = tpu.iota {dimensions = array<i32: 1>} : vector<768x768xi32>
    %jit3A_182 = arith.constant 64 : i32
    %eq3A_183 = arith.constant 0 : i32
    %eq3A_184 = arith.cmpi eq, %jit3A_182, %eq3A_183 : i32
    %jit3A_185 = arith.constant 1 : i32
    %select_n3A_186 = arith.select %eq3A_184, %jit3A_185, %jit3A_182 : i32
    %rem3A_187 = vector.broadcast %select_n3A_186 : i32 to vector<768x768xi32>
    %rem3A_188 = arith.remsi %iota3A_181, %rem3A_187 : vector<768x768xi32>
    %ne3A_189 = arith.constant 0 : i32
    %ne3A_190 = vector.broadcast %ne3A_189 : i32 to vector<768x768xi32>
    %ne3A_191 = arith.cmpi ne, %rem3A_188, %ne3A_190 : vector<768x768xi32>
    %lt3A_192 = arith.constant 0 : i32
    %lt3A_193 = vector.broadcast %lt3A_192 : i32 to vector<768x768xi32>
    %lt3A_194 = arith.cmpi slt, %rem3A_188, %lt3A_193 : vector<768x768xi32>
    %lt3A_195 = arith.constant 0 : i32
    %lt3A_196 = arith.cmpi slt, %select_n3A_186, %lt3A_195 : i32
    %ne3A_197 = vector.broadcast %lt3A_196 : i1 to vector<768x768xi1>
    %ne3A_198 = vector.broadcast %ne3A_197 : vector<768x768xi1> to vector<768x768xi1>
    %ne3A_199 = arith.xori %lt3A_194, %ne3A_198 : vector<768x768xi1>
    %and3A_200 = arith.andi %ne3A_199, %ne3A_191 : vector<768x768xi1>
    %add3A_201 = vector.broadcast %select_n3A_186 : i32 to vector<768x768xi32>
    %add3A_202 = arith.addi %rem3A_188, %add3A_201 : vector<768x768xi32>
    %select_n3A_203 = arith.select %and3A_200, %add3A_202, %rem3A_188 : vector<768x768xi1>, vector<768x768xi32>
    %lt3A_204 = arith.constant 16 : i32
    %lt3A_205 = vector.broadcast %lt3A_204 : i32 to vector<768x768xi32>
    %lt3A_206 = arith.cmpi slt, %select_n3A_203, %lt3A_205 : vector<768x768xi32>
    %add3A_207 = arith.constant 16 : i32
    %add3A_208 = vector.broadcast %add3A_207 : i32 to vector<768x768xi32>
    %add3A_209 = arith.addi %iota3A_181, %add3A_208 : vector<768x768xi32>
    %eq3A_210 = arith.cmpi eq, %iota3A_180, %add3A_209 : vector<768x768xi32>
    %and3A_211 = arith.andi %lt3A_206, %eq3A_210 : vector<768x768xi1>
    %ge3A = arith.constant 16 : i32
    %ge3A_212 = vector.broadcast %ge3A : i32 to vector<768x768xi32>
    %ge3A_213 = arith.cmpi sge, %select_n3A_203, %ge3A_212 : vector<768x768xi32>
    %lt3A_214 = arith.constant 32 : i32
    %lt3A_215 = vector.broadcast %lt3A_214 : i32 to vector<768x768xi32>
    %lt3A_216 = arith.cmpi slt, %select_n3A_203, %lt3A_215 : vector<768x768xi32>
    %and3A_217 = arith.andi %ge3A_213, %lt3A_216 : vector<768x768xi1>
    %sub3A_218 = arith.constant 16 : i32
    %sub3A_219 = vector.broadcast %sub3A_218 : i32 to vector<768x768xi32>
    %sub3A_220 = arith.subi %iota3A_181, %sub3A_219 : vector<768x768xi32>
    %eq3A_221 = arith.cmpi eq, %iota3A_180, %sub3A_220 : vector<768x768xi32>
    %and3A_222 = arith.andi %and3A_217, %eq3A_221 : vector<768x768xi1>
    %jit3A_223 = arith.constant 1.000000e+00 : f32
    %jit3A_224 = arith.constant 0.000000e+00 : f32
    %broadcast_in_dim3A_225 = vector.broadcast %jit3A_223 : f32 to vector<768x768xf32>
    %broadcast_in_dim3A_226 = vector.broadcast %jit3A_224 : f32 to vector<768x768xf32>
    %select_n3A_227 = arith.select %and3A_222, %broadcast_in_dim3A_225, %broadcast_in_dim3A_226 : vector<768x768xi1>, vector<768x768xf32>
    %jit3A_228 = arith.constant -1.000000e+00 : f32
    %broadcast_in_dim3A_229 = vector.broadcast %jit3A_228 : f32 to vector<768x768xf32>
    %select_n3A_230 = arith.select %and3A_211, %broadcast_in_dim3A_229, %select_n3A_227 : vector<768x768xi1>, vector<768x768xf32>
    %mul3A_231 = arith.mulf %mul3A_102, %select_n3A_176 : vector<1024x768xf32>
    %dot_general3A_232 = arith.constant dense<0.000000e+00> : vector<1024x768xf32>
    %dot_general3A_233 = tpu.matmul %mul3A_102, %select_n3A_230, %dot_general3A_232 {dimension_numbers = #tpu.dot_dimension_numbers<[1], [0], [0], [1], [0, 0, 1, 1], [], []>, transpose_lhs_hint = false} : vector<1024x768xf32>, vector<768x768xf32>, vector<1024x768xf32> -> vector<1024x768xf32>
    %mul3A_234 = arith.mulf %dot_general3A_233, %select_n3A_179 : vector<1024x768xf32>
    %add3A_235 = arith.addf %mul3A_231, %mul3A_234 : vector<1024x768xf32>
    %swap3A = arith.constant 0 : index
    %swap3A_236 = arith.constant 0 : index
    %swap3A_237 = vector.load %arg6[%swap3A, %swap3A_236] : memref<1024x768xf32, #tpu.memory_space<vmem>>, vector<1024x768xf32>
    tpu.vector_store %arg6[%swap3A, %swap3A_236], %add3A_235 {strides = array<i32>} : memref<1024x768xf32, #tpu.memory_space<vmem>>, vector<1024x768xf32>,
    %mul3A_238 = arith.mulf %mul3A_115, %select_n3A_176 : vector<1024x768xf32>
    %dot_general3A_239 = arith.constant dense<0.000000e+00> : vector<1024x768xf32>
    %dot_general3A_240 = tpu.matmul %mul3A_115, %select_n3A_230, %dot_general3A_239 {dimension_numbers = #tpu.dot_dimension_numbers<[1], [0], [0], [1], [0, 0, 1, 1], [], []>, transpose_lhs_hint = false} : vector<1024x768xf32>, vector<768x768xf32>, vector<1024x768xf32> -> vector<1024x768xf32>
    %mul3A_241 = arith.mulf %dot_general3A_240, %select_n3A_179 : vector<1024x768xf32>
    %add3A_242 = arith.addf %mul3A_238, %mul3A_241 : vector<1024x768xf32>
    %swap3A_243 = arith.constant 0 : index
    %swap3A_244 = arith.constant 0 : index
    %swap3A_245 = vector.load %arg7[%swap3A_243, %swap3A_244] : memref<1024x768xf32, #tpu.memory_space<vmem>>, vector<1024x768xf32>
    tpu.vector_store %arg7[%swap3A_243, %swap3A_244], %add3A_242 {strides = array<i32>} : memref<1024x768xf32, #tpu.memory_space<vmem>>, vector<1024x768xf32>,
    %swap3A_246 = arith.constant 0 : index
    %swap3A_247 = arith.constant 0 : index
    %swap3A_248 = vector.load %arg8[%swap3A_246, %swap3A_247] : memref<1024x768xf32, #tpu.memory_space<vmem>>, vector<1024x768xf32>
    tpu.vector_store %arg8[%swap3A_246, %swap3A_247], %dot_general3A_27 {strides = array<i32>} : memref<1024x768xf32, #tpu.memory_space<vmem>>, vector<1024x768xf32>,
    return
  }
  func.func @transform_0(%arg0: i32) -> (i32, i32) {
    %c0_i32 = arith.constant 0 : i32
    %c0_i32_0 = arith.constant 0 : i32
    return %arg0, %c0_i32 : i32, i32
  }
  func.func @transform_1(%arg0: i32) -> (i32, i32) {
    %c0_i32 = arith.constant 0 : i32
    %c0_i32_0 = arith.constant 0 : i32
    %c0_i32_1 = arith.constant 0 : i32
    return %c0_i32, %c0_i32_0 : i32, i32
  }
  func.func @transform_2(%arg0: i32) -> (i32, i32) {
    %c0_i32 = arith.constant 0 : i32
    %c0_i32_0 = arith.constant 0 : i32
    %c0_i32_1 = arith.constant 0 : i32
    return %c0_i32, %c0_i32_0 : i32, i32
  }
  func.func @transform_3(%arg0: i32) -> (i32, i32) {
    %c0_i32 = arith.constant 0 : i32
    %c0_i32_0 = arith.constant 0 : i32
    %c0_i32_1 = arith.constant 0 : i32
    return %c0_i32, %c0_i32_0 : i32, i32
  }
  func.func @transform_4(%arg0: i32) -> (i32, i32) {
    %c0_i32 = arith.constant 0 : i32
    %c0_i32_0 = arith.constant 0 : i32
    %c0_i32_1 = arith.constant 0 : i32
    return %c0_i32, %c0_i32_0 : i32, i32
  }
  func.func @transform_5(%arg0: i32) -> (i32, i32) {
    %c0_i32 = arith.constant 0 : i32
    %c0_i32_0 = arith.constant 0 : i32
    return %arg0, %c0_i32 : i32, i32
  }
  func.func @transform_6(%arg0: i32) -> (i32, i32) {
    %c0_i32 = arith.constant 0 : i32
    %c0_i32_0 = arith.constant 0 : i32
    return %arg0, %c0_i32 : i32, i32
  }
  func.func @transform_7(%arg0: i32) -> (i32, i32) {
    %c0_i32 = arith.constant 0 : i32
    %c0_i32_0 = arith.constant 0 : i32
    return %arg0, %c0_i32 : i32, i32
  }
}

module attributes {stable_mosaic.version = 14 : i64} {
  func.func @_attn_body(%arg0: i32, %arg1: memref<512x768xf32, #tpu.memory_space<vmem>>, %arg2: memref<2048x768xf32, #tpu.memory_space<vmem>>, %arg3: memref<2048x768xf32, #tpu.memory_space<vmem>>, %arg4: memref<512x768xf32, #tpu.memory_space<vmem>>) attributes {dimension_semantics = [#tpu.dimension_semantics<arbitrary>], iteration_bounds = array<i64: 2>, scalar_prefetch = 0 : i64, scratch_operands = 0 : i64, tpu.core_type = #tpu.core_type<tc>, window_params = [{transform_indices = @transform_0, window_bounds = array<i64: 512, 768>}, {pipeline_mode = #tpu.pipeline_mode<synchronous>, transform_indices = @transform_1, window_bounds = array<i64: 2048, 768>}, {pipeline_mode = #tpu.pipeline_mode<synchronous>, transform_indices = @transform_2, window_bounds = array<i64: 2048, 768>}, {transform_indices = @transform_3, window_bounds = array<i64: 512, 768>}]} {
    %iota3A = tpu.iota {dimensions = array<i32: 0>} : vector<512x2048xi32>
    %add3A = arith.constant 2 : i32
    %add3A_0 = arith.addi %add3A, %arg0 : i32
    %mul3A = arith.constant 512 : i32
    %mul3A_1 = arith.muli %add3A_0, %mul3A : i32
    %add3A_2 = vector.broadcast %mul3A_1 : i32 to vector<512x2048xi32>
    %add3A_3 = arith.addi %iota3A, %add3A_2 : vector<512x2048xi32>
    %iota3A_4 = tpu.iota {dimensions = array<i32: 1>} : vector<512x2048xi32>
    %le3A = arith.cmpi sle, %iota3A_4, %add3A_3 : vector<512x2048xi32>
    %jit3A = arith.constant 0.000000e+00 : f32
    %jit3A_5 = arith.constant -1.000000e+30 : f32
    %broadcast_in_dim3A = vector.broadcast %jit3A : f32 to vector<512x2048xf32>
    %broadcast_in_dim3A_6 = vector.broadcast %jit3A_5 : f32 to vector<512x2048xf32>
    %select_n3A = arith.select %le3A, %broadcast_in_dim3A, %broadcast_in_dim3A_6 : vector<512x2048xi1>, vector<512x2048xf32>
    %get3A = arith.constant 0 : index
    %get3A_7 = arith.constant 0 : index
    %get3A_8 = vector.load %arg1[%get3A, %get3A_7] : memref<512x768xf32, #tpu.memory_space<vmem>>, vector<512x64xf32>
    %mul3A_9 = arith.constant 1.250000e-01 : f32
    %mul3A_10 = vector.broadcast %mul3A_9 : f32 to vector<512x64xf32>
    %mul3A_11 = arith.mulf %get3A_8, %mul3A_10 : vector<512x64xf32>
    %get3A_12 = arith.constant 0 : index
    %get3A_13 = arith.constant 0 : index
    %get3A_14 = vector.load %arg2[%get3A_12, %get3A_13] : memref<2048x768xf32, #tpu.memory_space<vmem>>, vector<2048x64xf32>
    %get3A_15 = arith.constant 0 : index
    %get3A_16 = arith.constant 0 : index
    %get3A_17 = vector.load %arg3[%get3A_15, %get3A_16] : memref<2048x768xf32, #tpu.memory_space<vmem>>, vector<2048x64xf32>
    %dot_general3A = arith.constant dense<0.000000e+00> : vector<512x2048xf32>
    %dot_general3A_18 = tpu.matmul %mul3A_11, %get3A_14, %dot_general3A {dimension_numbers = #tpu.dot_dimension_numbers<[1], [1], [0], [0], [0, 0, 1, 0], [], []>, transpose_lhs_hint = false} : vector<512x64xf32>, vector<2048x64xf32>, vector<512x2048xf32> -> vector<512x2048xf32>
    %add3A_19 = arith.addf %dot_general3A_18, %select_n3A : vector<512x2048xf32>
    %exp3A = math.exp %add3A_19 : vector<512x2048xf32>
    %reduce_sum3A = arith.constant dense<0.000000e+00> : vector<512xf32>
    %reduce_sum3A_20 = vector.multi_reduction <add>, %exp3A, %reduce_sum3A [1] : vector<512x2048xf32> to vector<512xf32>
    %broadcast_in_dim3A_21 = vector.shape_cast %reduce_sum3A_20 : vector<512xf32> to vector<512x1xf32>
    %dot_general3A_22 = arith.constant dense<0.000000e+00> : vector<512x64xf32>
    %dot_general3A_23 = tpu.matmul %exp3A, %get3A_17, %dot_general3A_22 {dimension_numbers = #tpu.dot_dimension_numbers<[1], [0], [0], [1], [0, 0, 1, 1], [], []>, transpose_lhs_hint = false} : vector<512x2048xf32>, vector<2048x64xf32>, vector<512x64xf32> -> vector<512x64xf32>
    %div3A = vector.broadcast %broadcast_in_dim3A_21 : vector<512x1xf32> to vector<512x64xf32>
    %div3A_24 = arith.divf %dot_general3A_23, %div3A : vector<512x64xf32>
    %get3A_25 = arith.constant 0 : index
    %get3A_26 = arith.constant 64 : index
    %get3A_27 = vector.load %arg1[%get3A_25, %get3A_26] : memref<512x768xf32, #tpu.memory_space<vmem>>, vector<512x64xf32>
    %mul3A_28 = arith.constant 1.250000e-01 : f32
    %mul3A_29 = vector.broadcast %mul3A_28 : f32 to vector<512x64xf32>
    %mul3A_30 = arith.mulf %get3A_27, %mul3A_29 : vector<512x64xf32>
    %get3A_31 = arith.constant 0 : index
    %get3A_32 = arith.constant 64 : index
    %get3A_33 = vector.load %arg2[%get3A_31, %get3A_32] : memref<2048x768xf32, #tpu.memory_space<vmem>>, vector<2048x64xf32>
    %get3A_34 = arith.constant 0 : index
    %get3A_35 = arith.constant 64 : index
    %get3A_36 = vector.load %arg3[%get3A_34, %get3A_35] : memref<2048x768xf32, #tpu.memory_space<vmem>>, vector<2048x64xf32>
    %dot_general3A_37 = arith.constant dense<0.000000e+00> : vector<512x2048xf32>
    %dot_general3A_38 = tpu.matmul %mul3A_30, %get3A_33, %dot_general3A_37 {dimension_numbers = #tpu.dot_dimension_numbers<[1], [1], [0], [0], [0, 0, 1, 0], [], []>, transpose_lhs_hint = false} : vector<512x64xf32>, vector<2048x64xf32>, vector<512x2048xf32> -> vector<512x2048xf32>
    %add3A_39 = arith.addf %dot_general3A_38, %select_n3A : vector<512x2048xf32>
    %exp3A_40 = math.exp %add3A_39 : vector<512x2048xf32>
    %reduce_sum3A_41 = arith.constant dense<0.000000e+00> : vector<512xf32>
    %reduce_sum3A_42 = vector.multi_reduction <add>, %exp3A_40, %reduce_sum3A_41 [1] : vector<512x2048xf32> to vector<512xf32>
    %broadcast_in_dim3A_43 = vector.shape_cast %reduce_sum3A_42 : vector<512xf32> to vector<512x1xf32>
    %dot_general3A_44 = arith.constant dense<0.000000e+00> : vector<512x64xf32>
    %dot_general3A_45 = tpu.matmul %exp3A_40, %get3A_36, %dot_general3A_44 {dimension_numbers = #tpu.dot_dimension_numbers<[1], [0], [0], [1], [0, 0, 1, 1], [], []>, transpose_lhs_hint = false} : vector<512x2048xf32>, vector<2048x64xf32>, vector<512x64xf32> -> vector<512x64xf32>
    %div3A_46 = vector.broadcast %broadcast_in_dim3A_43 : vector<512x1xf32> to vector<512x64xf32>
    %div3A_47 = arith.divf %dot_general3A_45, %div3A_46 : vector<512x64xf32>
    %get3A_48 = arith.constant 0 : index
    %get3A_49 = arith.constant 128 : index
    %get3A_50 = vector.load %arg1[%get3A_48, %get3A_49] : memref<512x768xf32, #tpu.memory_space<vmem>>, vector<512x64xf32>
    %mul3A_51 = arith.constant 1.250000e-01 : f32
    %mul3A_52 = vector.broadcast %mul3A_51 : f32 to vector<512x64xf32>
    %mul3A_53 = arith.mulf %get3A_50, %mul3A_52 : vector<512x64xf32>
    %get3A_54 = arith.constant 0 : index
    %get3A_55 = arith.constant 128 : index
    %get3A_56 = vector.load %arg2[%get3A_54, %get3A_55] : memref<2048x768xf32, #tpu.memory_space<vmem>>, vector<2048x64xf32>
    %get3A_57 = arith.constant 0 : index
    %get3A_58 = arith.constant 128 : index
    %get3A_59 = vector.load %arg3[%get3A_57, %get3A_58] : memref<2048x768xf32, #tpu.memory_space<vmem>>, vector<2048x64xf32>
    %dot_general3A_60 = arith.constant dense<0.000000e+00> : vector<512x2048xf32>
    %dot_general3A_61 = tpu.matmul %mul3A_53, %get3A_56, %dot_general3A_60 {dimension_numbers = #tpu.dot_dimension_numbers<[1], [1], [0], [0], [0, 0, 1, 0], [], []>, transpose_lhs_hint = false} : vector<512x64xf32>, vector<2048x64xf32>, vector<512x2048xf32> -> vector<512x2048xf32>
    %add3A_62 = arith.addf %dot_general3A_61, %select_n3A : vector<512x2048xf32>
    %exp3A_63 = math.exp %add3A_62 : vector<512x2048xf32>
    %reduce_sum3A_64 = arith.constant dense<0.000000e+00> : vector<512xf32>
    %reduce_sum3A_65 = vector.multi_reduction <add>, %exp3A_63, %reduce_sum3A_64 [1] : vector<512x2048xf32> to vector<512xf32>
    %broadcast_in_dim3A_66 = vector.shape_cast %reduce_sum3A_65 : vector<512xf32> to vector<512x1xf32>
    %dot_general3A_67 = arith.constant dense<0.000000e+00> : vector<512x64xf32>
    %dot_general3A_68 = tpu.matmul %exp3A_63, %get3A_59, %dot_general3A_67 {dimension_numbers = #tpu.dot_dimension_numbers<[1], [0], [0], [1], [0, 0, 1, 1], [], []>, transpose_lhs_hint = false} : vector<512x2048xf32>, vector<2048x64xf32>, vector<512x64xf32> -> vector<512x64xf32>
    %div3A_69 = vector.broadcast %broadcast_in_dim3A_66 : vector<512x1xf32> to vector<512x64xf32>
    %div3A_70 = arith.divf %dot_general3A_68, %div3A_69 : vector<512x64xf32>
    %get3A_71 = arith.constant 0 : index
    %get3A_72 = arith.constant 192 : index
    %get3A_73 = vector.load %arg1[%get3A_71, %get3A_72] : memref<512x768xf32, #tpu.memory_space<vmem>>, vector<512x64xf32>
    %mul3A_74 = arith.constant 1.250000e-01 : f32
    %mul3A_75 = vector.broadcast %mul3A_74 : f32 to vector<512x64xf32>
    %mul3A_76 = arith.mulf %get3A_73, %mul3A_75 : vector<512x64xf32>
    %get3A_77 = arith.constant 0 : index
    %get3A_78 = arith.constant 192 : index
    %get3A_79 = vector.load %arg2[%get3A_77, %get3A_78] : memref<2048x768xf32, #tpu.memory_space<vmem>>, vector<2048x64xf32>
    %get3A_80 = arith.constant 0 : index
    %get3A_81 = arith.constant 192 : index
    %get3A_82 = vector.load %arg3[%get3A_80, %get3A_81] : memref<2048x768xf32, #tpu.memory_space<vmem>>, vector<2048x64xf32>
    %dot_general3A_83 = arith.constant dense<0.000000e+00> : vector<512x2048xf32>
    %dot_general3A_84 = tpu.matmul %mul3A_76, %get3A_79, %dot_general3A_83 {dimension_numbers = #tpu.dot_dimension_numbers<[1], [1], [0], [0], [0, 0, 1, 0], [], []>, transpose_lhs_hint = false} : vector<512x64xf32>, vector<2048x64xf32>, vector<512x2048xf32> -> vector<512x2048xf32>
    %add3A_85 = arith.addf %dot_general3A_84, %select_n3A : vector<512x2048xf32>
    %exp3A_86 = math.exp %add3A_85 : vector<512x2048xf32>
    %reduce_sum3A_87 = arith.constant dense<0.000000e+00> : vector<512xf32>
    %reduce_sum3A_88 = vector.multi_reduction <add>, %exp3A_86, %reduce_sum3A_87 [1] : vector<512x2048xf32> to vector<512xf32>
    %broadcast_in_dim3A_89 = vector.shape_cast %reduce_sum3A_88 : vector<512xf32> to vector<512x1xf32>
    %dot_general3A_90 = arith.constant dense<0.000000e+00> : vector<512x64xf32>
    %dot_general3A_91 = tpu.matmul %exp3A_86, %get3A_82, %dot_general3A_90 {dimension_numbers = #tpu.dot_dimension_numbers<[1], [0], [0], [1], [0, 0, 1, 1], [], []>, transpose_lhs_hint = false} : vector<512x2048xf32>, vector<2048x64xf32>, vector<512x64xf32> -> vector<512x64xf32>
    %div3A_92 = vector.broadcast %broadcast_in_dim3A_89 : vector<512x1xf32> to vector<512x64xf32>
    %div3A_93 = arith.divf %dot_general3A_91, %div3A_92 : vector<512x64xf32>
    %get3A_94 = arith.constant 0 : index
    %get3A_95 = arith.constant 256 : index
    %get3A_96 = vector.load %arg1[%get3A_94, %get3A_95] : memref<512x768xf32, #tpu.memory_space<vmem>>, vector<512x64xf32>
    %mul3A_97 = arith.constant 1.250000e-01 : f32
    %mul3A_98 = vector.broadcast %mul3A_97 : f32 to vector<512x64xf32>
    %mul3A_99 = arith.mulf %get3A_96, %mul3A_98 : vector<512x64xf32>
    %get3A_100 = arith.constant 0 : index
    %get3A_101 = arith.constant 256 : index
    %get3A_102 = vector.load %arg2[%get3A_100, %get3A_101] : memref<2048x768xf32, #tpu.memory_space<vmem>>, vector<2048x64xf32>
    %get3A_103 = arith.constant 0 : index
    %get3A_104 = arith.constant 256 : index
    %get3A_105 = vector.load %arg3[%get3A_103, %get3A_104] : memref<2048x768xf32, #tpu.memory_space<vmem>>, vector<2048x64xf32>
    %dot_general3A_106 = arith.constant dense<0.000000e+00> : vector<512x2048xf32>
    %dot_general3A_107 = tpu.matmul %mul3A_99, %get3A_102, %dot_general3A_106 {dimension_numbers = #tpu.dot_dimension_numbers<[1], [1], [0], [0], [0, 0, 1, 0], [], []>, transpose_lhs_hint = false} : vector<512x64xf32>, vector<2048x64xf32>, vector<512x2048xf32> -> vector<512x2048xf32>
    %add3A_108 = arith.addf %dot_general3A_107, %select_n3A : vector<512x2048xf32>
    %exp3A_109 = math.exp %add3A_108 : vector<512x2048xf32>
    %reduce_sum3A_110 = arith.constant dense<0.000000e+00> : vector<512xf32>
    %reduce_sum3A_111 = vector.multi_reduction <add>, %exp3A_109, %reduce_sum3A_110 [1] : vector<512x2048xf32> to vector<512xf32>
    %broadcast_in_dim3A_112 = vector.shape_cast %reduce_sum3A_111 : vector<512xf32> to vector<512x1xf32>
    %dot_general3A_113 = arith.constant dense<0.000000e+00> : vector<512x64xf32>
    %dot_general3A_114 = tpu.matmul %exp3A_109, %get3A_105, %dot_general3A_113 {dimension_numbers = #tpu.dot_dimension_numbers<[1], [0], [0], [1], [0, 0, 1, 1], [], []>, transpose_lhs_hint = false} : vector<512x2048xf32>, vector<2048x64xf32>, vector<512x64xf32> -> vector<512x64xf32>
    %div3A_115 = vector.broadcast %broadcast_in_dim3A_112 : vector<512x1xf32> to vector<512x64xf32>
    %div3A_116 = arith.divf %dot_general3A_114, %div3A_115 : vector<512x64xf32>
    %get3A_117 = arith.constant 0 : index
    %get3A_118 = arith.constant 320 : index
    %get3A_119 = vector.load %arg1[%get3A_117, %get3A_118] : memref<512x768xf32, #tpu.memory_space<vmem>>, vector<512x64xf32>
    %mul3A_120 = arith.constant 1.250000e-01 : f32
    %mul3A_121 = vector.broadcast %mul3A_120 : f32 to vector<512x64xf32>
    %mul3A_122 = arith.mulf %get3A_119, %mul3A_121 : vector<512x64xf32>
    %get3A_123 = arith.constant 0 : index
    %get3A_124 = arith.constant 320 : index
    %get3A_125 = vector.load %arg2[%get3A_123, %get3A_124] : memref<2048x768xf32, #tpu.memory_space<vmem>>, vector<2048x64xf32>
    %get3A_126 = arith.constant 0 : index
    %get3A_127 = arith.constant 320 : index
    %get3A_128 = vector.load %arg3[%get3A_126, %get3A_127] : memref<2048x768xf32, #tpu.memory_space<vmem>>, vector<2048x64xf32>
    %dot_general3A_129 = arith.constant dense<0.000000e+00> : vector<512x2048xf32>
    %dot_general3A_130 = tpu.matmul %mul3A_122, %get3A_125, %dot_general3A_129 {dimension_numbers = #tpu.dot_dimension_numbers<[1], [1], [0], [0], [0, 0, 1, 0], [], []>, transpose_lhs_hint = false} : vector<512x64xf32>, vector<2048x64xf32>, vector<512x2048xf32> -> vector<512x2048xf32>
    %add3A_131 = arith.addf %dot_general3A_130, %select_n3A : vector<512x2048xf32>
    %exp3A_132 = math.exp %add3A_131 : vector<512x2048xf32>
    %reduce_sum3A_133 = arith.constant dense<0.000000e+00> : vector<512xf32>
    %reduce_sum3A_134 = vector.multi_reduction <add>, %exp3A_132, %reduce_sum3A_133 [1] : vector<512x2048xf32> to vector<512xf32>
    %broadcast_in_dim3A_135 = vector.shape_cast %reduce_sum3A_134 : vector<512xf32> to vector<512x1xf32>
    %dot_general3A_136 = arith.constant dense<0.000000e+00> : vector<512x64xf32>
    %dot_general3A_137 = tpu.matmul %exp3A_132, %get3A_128, %dot_general3A_136 {dimension_numbers = #tpu.dot_dimension_numbers<[1], [0], [0], [1], [0, 0, 1, 1], [], []>, transpose_lhs_hint = false} : vector<512x2048xf32>, vector<2048x64xf32>, vector<512x64xf32> -> vector<512x64xf32>
    %div3A_138 = vector.broadcast %broadcast_in_dim3A_135 : vector<512x1xf32> to vector<512x64xf32>
    %div3A_139 = arith.divf %dot_general3A_137, %div3A_138 : vector<512x64xf32>
    %get3A_140 = arith.constant 0 : index
    %get3A_141 = arith.constant 384 : index
    %get3A_142 = vector.load %arg1[%get3A_140, %get3A_141] : memref<512x768xf32, #tpu.memory_space<vmem>>, vector<512x64xf32>
    %mul3A_143 = arith.constant 1.250000e-01 : f32
    %mul3A_144 = vector.broadcast %mul3A_143 : f32 to vector<512x64xf32>
    %mul3A_145 = arith.mulf %get3A_142, %mul3A_144 : vector<512x64xf32>
    %get3A_146 = arith.constant 0 : index
    %get3A_147 = arith.constant 384 : index
    %get3A_148 = vector.load %arg2[%get3A_146, %get3A_147] : memref<2048x768xf32, #tpu.memory_space<vmem>>, vector<2048x64xf32>
    %get3A_149 = arith.constant 0 : index
    %get3A_150 = arith.constant 384 : index
    %get3A_151 = vector.load %arg3[%get3A_149, %get3A_150] : memref<2048x768xf32, #tpu.memory_space<vmem>>, vector<2048x64xf32>
    %dot_general3A_152 = arith.constant dense<0.000000e+00> : vector<512x2048xf32>
    %dot_general3A_153 = tpu.matmul %mul3A_145, %get3A_148, %dot_general3A_152 {dimension_numbers = #tpu.dot_dimension_numbers<[1], [1], [0], [0], [0, 0, 1, 0], [], []>, transpose_lhs_hint = false} : vector<512x64xf32>, vector<2048x64xf32>, vector<512x2048xf32> -> vector<512x2048xf32>
    %add3A_154 = arith.addf %dot_general3A_153, %select_n3A : vector<512x2048xf32>
    %exp3A_155 = math.exp %add3A_154 : vector<512x2048xf32>
    %reduce_sum3A_156 = arith.constant dense<0.000000e+00> : vector<512xf32>
    %reduce_sum3A_157 = vector.multi_reduction <add>, %exp3A_155, %reduce_sum3A_156 [1] : vector<512x2048xf32> to vector<512xf32>
    %broadcast_in_dim3A_158 = vector.shape_cast %reduce_sum3A_157 : vector<512xf32> to vector<512x1xf32>
    %dot_general3A_159 = arith.constant dense<0.000000e+00> : vector<512x64xf32>
    %dot_general3A_160 = tpu.matmul %exp3A_155, %get3A_151, %dot_general3A_159 {dimension_numbers = #tpu.dot_dimension_numbers<[1], [0], [0], [1], [0, 0, 1, 1], [], []>, transpose_lhs_hint = false} : vector<512x2048xf32>, vector<2048x64xf32>, vector<512x64xf32> -> vector<512x64xf32>
    %div3A_161 = vector.broadcast %broadcast_in_dim3A_158 : vector<512x1xf32> to vector<512x64xf32>
    %div3A_162 = arith.divf %dot_general3A_160, %div3A_161 : vector<512x64xf32>
    %get3A_163 = arith.constant 0 : index
    %get3A_164 = arith.constant 448 : index
    %get3A_165 = vector.load %arg1[%get3A_163, %get3A_164] : memref<512x768xf32, #tpu.memory_space<vmem>>, vector<512x64xf32>
    %mul3A_166 = arith.constant 1.250000e-01 : f32
    %mul3A_167 = vector.broadcast %mul3A_166 : f32 to vector<512x64xf32>
    %mul3A_168 = arith.mulf %get3A_165, %mul3A_167 : vector<512x64xf32>
    %get3A_169 = arith.constant 0 : index
    %get3A_170 = arith.constant 448 : index
    %get3A_171 = vector.load %arg2[%get3A_169, %get3A_170] : memref<2048x768xf32, #tpu.memory_space<vmem>>, vector<2048x64xf32>
    %get3A_172 = arith.constant 0 : index
    %get3A_173 = arith.constant 448 : index
    %get3A_174 = vector.load %arg3[%get3A_172, %get3A_173] : memref<2048x768xf32, #tpu.memory_space<vmem>>, vector<2048x64xf32>
    %dot_general3A_175 = arith.constant dense<0.000000e+00> : vector<512x2048xf32>
    %dot_general3A_176 = tpu.matmul %mul3A_168, %get3A_171, %dot_general3A_175 {dimension_numbers = #tpu.dot_dimension_numbers<[1], [1], [0], [0], [0, 0, 1, 0], [], []>, transpose_lhs_hint = false} : vector<512x64xf32>, vector<2048x64xf32>, vector<512x2048xf32> -> vector<512x2048xf32>
    %add3A_177 = arith.addf %dot_general3A_176, %select_n3A : vector<512x2048xf32>
    %exp3A_178 = math.exp %add3A_177 : vector<512x2048xf32>
    %reduce_sum3A_179 = arith.constant dense<0.000000e+00> : vector<512xf32>
    %reduce_sum3A_180 = vector.multi_reduction <add>, %exp3A_178, %reduce_sum3A_179 [1] : vector<512x2048xf32> to vector<512xf32>
    %broadcast_in_dim3A_181 = vector.shape_cast %reduce_sum3A_180 : vector<512xf32> to vector<512x1xf32>
    %dot_general3A_182 = arith.constant dense<0.000000e+00> : vector<512x64xf32>
    %dot_general3A_183 = tpu.matmul %exp3A_178, %get3A_174, %dot_general3A_182 {dimension_numbers = #tpu.dot_dimension_numbers<[1], [0], [0], [1], [0, 0, 1, 1], [], []>, transpose_lhs_hint = false} : vector<512x2048xf32>, vector<2048x64xf32>, vector<512x64xf32> -> vector<512x64xf32>
    %div3A_184 = vector.broadcast %broadcast_in_dim3A_181 : vector<512x1xf32> to vector<512x64xf32>
    %div3A_185 = arith.divf %dot_general3A_183, %div3A_184 : vector<512x64xf32>
    %get3A_186 = arith.constant 0 : index
    %get3A_187 = arith.constant 512 : index
    %get3A_188 = vector.load %arg1[%get3A_186, %get3A_187] : memref<512x768xf32, #tpu.memory_space<vmem>>, vector<512x64xf32>
    %mul3A_189 = arith.constant 1.250000e-01 : f32
    %mul3A_190 = vector.broadcast %mul3A_189 : f32 to vector<512x64xf32>
    %mul3A_191 = arith.mulf %get3A_188, %mul3A_190 : vector<512x64xf32>
    %get3A_192 = arith.constant 0 : index
    %get3A_193 = arith.constant 512 : index
    %get3A_194 = vector.load %arg2[%get3A_192, %get3A_193] : memref<2048x768xf32, #tpu.memory_space<vmem>>, vector<2048x64xf32>
    %get3A_195 = arith.constant 0 : index
    %get3A_196 = arith.constant 512 : index
    %get3A_197 = vector.load %arg3[%get3A_195, %get3A_196] : memref<2048x768xf32, #tpu.memory_space<vmem>>, vector<2048x64xf32>
    %dot_general3A_198 = arith.constant dense<0.000000e+00> : vector<512x2048xf32>
    %dot_general3A_199 = tpu.matmul %mul3A_191, %get3A_194, %dot_general3A_198 {dimension_numbers = #tpu.dot_dimension_numbers<[1], [1], [0], [0], [0, 0, 1, 0], [], []>, transpose_lhs_hint = false} : vector<512x64xf32>, vector<2048x64xf32>, vector<512x2048xf32> -> vector<512x2048xf32>
    %add3A_200 = arith.addf %dot_general3A_199, %select_n3A : vector<512x2048xf32>
    %exp3A_201 = math.exp %add3A_200 : vector<512x2048xf32>
    %reduce_sum3A_202 = arith.constant dense<0.000000e+00> : vector<512xf32>
    %reduce_sum3A_203 = vector.multi_reduction <add>, %exp3A_201, %reduce_sum3A_202 [1] : vector<512x2048xf32> to vector<512xf32>
    %broadcast_in_dim3A_204 = vector.shape_cast %reduce_sum3A_203 : vector<512xf32> to vector<512x1xf32>
    %dot_general3A_205 = arith.constant dense<0.000000e+00> : vector<512x64xf32>
    %dot_general3A_206 = tpu.matmul %exp3A_201, %get3A_197, %dot_general3A_205 {dimension_numbers = #tpu.dot_dimension_numbers<[1], [0], [0], [1], [0, 0, 1, 1], [], []>, transpose_lhs_hint = false} : vector<512x2048xf32>, vector<2048x64xf32>, vector<512x64xf32> -> vector<512x64xf32>
    %div3A_207 = vector.broadcast %broadcast_in_dim3A_204 : vector<512x1xf32> to vector<512x64xf32>
    %div3A_208 = arith.divf %dot_general3A_206, %div3A_207 : vector<512x64xf32>
    %get3A_209 = arith.constant 0 : index
    %get3A_210 = arith.constant 576 : index
    %get3A_211 = vector.load %arg1[%get3A_209, %get3A_210] : memref<512x768xf32, #tpu.memory_space<vmem>>, vector<512x64xf32>
    %mul3A_212 = arith.constant 1.250000e-01 : f32
    %mul3A_213 = vector.broadcast %mul3A_212 : f32 to vector<512x64xf32>
    %mul3A_214 = arith.mulf %get3A_211, %mul3A_213 : vector<512x64xf32>
    %get3A_215 = arith.constant 0 : index
    %get3A_216 = arith.constant 576 : index
    %get3A_217 = vector.load %arg2[%get3A_215, %get3A_216] : memref<2048x768xf32, #tpu.memory_space<vmem>>, vector<2048x64xf32>
    %get3A_218 = arith.constant 0 : index
    %get3A_219 = arith.constant 576 : index
    %get3A_220 = vector.load %arg3[%get3A_218, %get3A_219] : memref<2048x768xf32, #tpu.memory_space<vmem>>, vector<2048x64xf32>
    %dot_general3A_221 = arith.constant dense<0.000000e+00> : vector<512x2048xf32>
    %dot_general3A_222 = tpu.matmul %mul3A_214, %get3A_217, %dot_general3A_221 {dimension_numbers = #tpu.dot_dimension_numbers<[1], [1], [0], [0], [0, 0, 1, 0], [], []>, transpose_lhs_hint = false} : vector<512x64xf32>, vector<2048x64xf32>, vector<512x2048xf32> -> vector<512x2048xf32>
    %add3A_223 = arith.addf %dot_general3A_222, %select_n3A : vector<512x2048xf32>
    %exp3A_224 = math.exp %add3A_223 : vector<512x2048xf32>
    %reduce_sum3A_225 = arith.constant dense<0.000000e+00> : vector<512xf32>
    %reduce_sum3A_226 = vector.multi_reduction <add>, %exp3A_224, %reduce_sum3A_225 [1] : vector<512x2048xf32> to vector<512xf32>
    %broadcast_in_dim3A_227 = vector.shape_cast %reduce_sum3A_226 : vector<512xf32> to vector<512x1xf32>
    %dot_general3A_228 = arith.constant dense<0.000000e+00> : vector<512x64xf32>
    %dot_general3A_229 = tpu.matmul %exp3A_224, %get3A_220, %dot_general3A_228 {dimension_numbers = #tpu.dot_dimension_numbers<[1], [0], [0], [1], [0, 0, 1, 1], [], []>, transpose_lhs_hint = false} : vector<512x2048xf32>, vector<2048x64xf32>, vector<512x64xf32> -> vector<512x64xf32>
    %div3A_230 = vector.broadcast %broadcast_in_dim3A_227 : vector<512x1xf32> to vector<512x64xf32>
    %div3A_231 = arith.divf %dot_general3A_229, %div3A_230 : vector<512x64xf32>
    %get3A_232 = arith.constant 0 : index
    %get3A_233 = arith.constant 640 : index
    %get3A_234 = vector.load %arg1[%get3A_232, %get3A_233] : memref<512x768xf32, #tpu.memory_space<vmem>>, vector<512x64xf32>
    %mul3A_235 = arith.constant 1.250000e-01 : f32
    %mul3A_236 = vector.broadcast %mul3A_235 : f32 to vector<512x64xf32>
    %mul3A_237 = arith.mulf %get3A_234, %mul3A_236 : vector<512x64xf32>
    %get3A_238 = arith.constant 0 : index
    %get3A_239 = arith.constant 640 : index
    %get3A_240 = vector.load %arg2[%get3A_238, %get3A_239] : memref<2048x768xf32, #tpu.memory_space<vmem>>, vector<2048x64xf32>
    %get3A_241 = arith.constant 0 : index
    %get3A_242 = arith.constant 640 : index
    %get3A_243 = vector.load %arg3[%get3A_241, %get3A_242] : memref<2048x768xf32, #tpu.memory_space<vmem>>, vector<2048x64xf32>
    %dot_general3A_244 = arith.constant dense<0.000000e+00> : vector<512x2048xf32>
    %dot_general3A_245 = tpu.matmul %mul3A_237, %get3A_240, %dot_general3A_244 {dimension_numbers = #tpu.dot_dimension_numbers<[1], [1], [0], [0], [0, 0, 1, 0], [], []>, transpose_lhs_hint = false} : vector<512x64xf32>, vector<2048x64xf32>, vector<512x2048xf32> -> vector<512x2048xf32>
    %add3A_246 = arith.addf %dot_general3A_245, %select_n3A : vector<512x2048xf32>
    %exp3A_247 = math.exp %add3A_246 : vector<512x2048xf32>
    %reduce_sum3A_248 = arith.constant dense<0.000000e+00> : vector<512xf32>
    %reduce_sum3A_249 = vector.multi_reduction <add>, %exp3A_247, %reduce_sum3A_248 [1] : vector<512x2048xf32> to vector<512xf32>
    %broadcast_in_dim3A_250 = vector.shape_cast %reduce_sum3A_249 : vector<512xf32> to vector<512x1xf32>
    %dot_general3A_251 = arith.constant dense<0.000000e+00> : vector<512x64xf32>
    %dot_general3A_252 = tpu.matmul %exp3A_247, %get3A_243, %dot_general3A_251 {dimension_numbers = #tpu.dot_dimension_numbers<[1], [0], [0], [1], [0, 0, 1, 1], [], []>, transpose_lhs_hint = false} : vector<512x2048xf32>, vector<2048x64xf32>, vector<512x64xf32> -> vector<512x64xf32>
    %div3A_253 = vector.broadcast %broadcast_in_dim3A_250 : vector<512x1xf32> to vector<512x64xf32>
    %div3A_254 = arith.divf %dot_general3A_252, %div3A_253 : vector<512x64xf32>
    %get3A_255 = arith.constant 0 : index
    %get3A_256 = arith.constant 704 : index
    %get3A_257 = vector.load %arg1[%get3A_255, %get3A_256] : memref<512x768xf32, #tpu.memory_space<vmem>>, vector<512x64xf32>
    %mul3A_258 = arith.constant 1.250000e-01 : f32
    %mul3A_259 = vector.broadcast %mul3A_258 : f32 to vector<512x64xf32>
    %mul3A_260 = arith.mulf %get3A_257, %mul3A_259 : vector<512x64xf32>
    %get3A_261 = arith.constant 0 : index
    %get3A_262 = arith.constant 704 : index
    %get3A_263 = vector.load %arg2[%get3A_261, %get3A_262] : memref<2048x768xf32, #tpu.memory_space<vmem>>, vector<2048x64xf32>
    %get3A_264 = arith.constant 0 : index
    %get3A_265 = arith.constant 704 : index
    %get3A_266 = vector.load %arg3[%get3A_264, %get3A_265] : memref<2048x768xf32, #tpu.memory_space<vmem>>, vector<2048x64xf32>
    %dot_general3A_267 = arith.constant dense<0.000000e+00> : vector<512x2048xf32>
    %dot_general3A_268 = tpu.matmul %mul3A_260, %get3A_263, %dot_general3A_267 {dimension_numbers = #tpu.dot_dimension_numbers<[1], [1], [0], [0], [0, 0, 1, 0], [], []>, transpose_lhs_hint = false} : vector<512x64xf32>, vector<2048x64xf32>, vector<512x2048xf32> -> vector<512x2048xf32>
    %add3A_269 = arith.addf %dot_general3A_268, %select_n3A : vector<512x2048xf32>
    %exp3A_270 = math.exp %add3A_269 : vector<512x2048xf32>
    %reduce_sum3A_271 = arith.constant dense<0.000000e+00> : vector<512xf32>
    %reduce_sum3A_272 = vector.multi_reduction <add>, %exp3A_270, %reduce_sum3A_271 [1] : vector<512x2048xf32> to vector<512xf32>
    %broadcast_in_dim3A_273 = vector.shape_cast %reduce_sum3A_272 : vector<512xf32> to vector<512x1xf32>
    %dot_general3A_274 = arith.constant dense<0.000000e+00> : vector<512x64xf32>
    %dot_general3A_275 = tpu.matmul %exp3A_270, %get3A_266, %dot_general3A_274 {dimension_numbers = #tpu.dot_dimension_numbers<[1], [0], [0], [1], [0, 0, 1, 1], [], []>, transpose_lhs_hint = false} : vector<512x2048xf32>, vector<2048x64xf32>, vector<512x64xf32> -> vector<512x64xf32>
    %div3A_276 = vector.broadcast %broadcast_in_dim3A_273 : vector<512x1xf32> to vector<512x64xf32>
    %div3A_277 = arith.divf %dot_general3A_275, %div3A_276 : vector<512x64xf32>
    %concatenate3A = tpu.concatenate %div3A_24, %div3A_47, %div3A_70, %div3A_93, %div3A_116, %div3A_139, %div3A_162, %div3A_185, %div3A_208, %div3A_231, %div3A_254, %div3A_277 in 1 : vector<512x64xf32>, vector<512x64xf32>, vector<512x64xf32>, vector<512x64xf32>, vector<512x64xf32>, vector<512x64xf32>, vector<512x64xf32>, vector<512x64xf32>, vector<512x64xf32>, vector<512x64xf32>, vector<512x64xf32>, vector<512x64xf32> -> vector<512x768xf32>
    %swap3A = arith.constant 0 : index
    %swap3A_278 = arith.constant 0 : index
    %swap3A_279 = vector.load %arg4[%swap3A, %swap3A_278] : memref<512x768xf32, #tpu.memory_space<vmem>>, vector<512x768xf32>
    tpu.vector_store %arg4[%swap3A, %swap3A_278], %concatenate3A {strides = array<i32>} : memref<512x768xf32, #tpu.memory_space<vmem>>, vector<512x768xf32>,
    return
  }
  func.func @transform_0(%arg0: i32) -> (i32, i32) {
    %add3A = arith.constant 2 : i32
    %add3A_0 = arith.addi %add3A, %arg0 : i32
    %c0_i32 = arith.constant 0 : i32
    %c0_i32_1 = arith.constant 0 : i32
    return %add3A_0, %c0_i32 : i32, i32
  }
  func.func @transform_1(%arg0: i32) -> (i32, i32) {
    %c0_i32 = arith.constant 0 : i32
    %c0_i32_0 = arith.constant 0 : i32
    %c0_i32_1 = arith.constant 0 : i32
    return %c0_i32, %c0_i32_0 : i32, i32
  }
  func.func @transform_2(%arg0: i32) -> (i32, i32) {
    %c0_i32 = arith.constant 0 : i32
    %c0_i32_0 = arith.constant 0 : i32
    %c0_i32_1 = arith.constant 0 : i32
    return %c0_i32, %c0_i32_0 : i32, i32
  }
  func.func @transform_3(%arg0: i32) -> (i32, i32) {
    %c0_i32 = arith.constant 0 : i32
    %c0_i32_0 = arith.constant 0 : i32
    return %arg0, %c0_i32 : i32, i32
  }
}

module attributes {stable_mosaic.version = 14 : i64} {
  func.func @_attn_body(%arg0: i32, %arg1: memref<512x768xf32, #tpu.memory_space<vmem>>, %arg2: memref<1024x768xf32, #tpu.memory_space<vmem>>, %arg3: memref<1024x768xf32, #tpu.memory_space<vmem>>, %arg4: memref<512x768xf32, #tpu.memory_space<vmem>>) attributes {dimension_semantics = [#tpu.dimension_semantics<arbitrary>], iteration_bounds = array<i64: 2>, scalar_prefetch = 0 : i64, scratch_operands = 0 : i64, tpu.core_type = #tpu.core_type<tc>, window_params = [{transform_indices = @transform_0, window_bounds = array<i64: 512, 768>}, {transform_indices = @transform_1, window_bounds = array<i64: 1024, 768>}, {transform_indices = @transform_2, window_bounds = array<i64: 1024, 768>}, {transform_indices = @transform_3, window_bounds = array<i64: 512, 768>}]} {
    %iota3A = tpu.iota {dimensions = array<i32: 0>} : vector<512x1024xi32>
    %add3A = arith.constant 0 : i32
    %add3A_0 = arith.addi %add3A, %arg0 : i32
    %mul3A = arith.constant 512 : i32
    %mul3A_1 = arith.muli %add3A_0, %mul3A : i32
    %add3A_2 = vector.broadcast %mul3A_1 : i32 to vector<512x1024xi32>
    %add3A_3 = arith.addi %iota3A, %add3A_2 : vector<512x1024xi32>
    %iota3A_4 = tpu.iota {dimensions = array<i32: 1>} : vector<512x1024xi32>
    %le3A = arith.cmpi sle, %iota3A_4, %add3A_3 : vector<512x1024xi32>
    %jit3A = arith.constant 0.000000e+00 : f32
    %jit3A_5 = arith.constant -1.000000e+30 : f32
    %broadcast_in_dim3A = vector.broadcast %jit3A : f32 to vector<512x1024xf32>
    %broadcast_in_dim3A_6 = vector.broadcast %jit3A_5 : f32 to vector<512x1024xf32>
    %select_n3A = arith.select %le3A, %broadcast_in_dim3A, %broadcast_in_dim3A_6 : vector<512x1024xi1>, vector<512x1024xf32>
    %get3A = arith.constant 0 : index
    %get3A_7 = arith.constant 0 : index
    %get3A_8 = vector.load %arg1[%get3A, %get3A_7] : memref<512x768xf32, #tpu.memory_space<vmem>>, vector<512x64xf32>
    %mul3A_9 = arith.constant 1.250000e-01 : f32
    %mul3A_10 = vector.broadcast %mul3A_9 : f32 to vector<512x64xf32>
    %mul3A_11 = arith.mulf %get3A_8, %mul3A_10 : vector<512x64xf32>
    %get3A_12 = arith.constant 0 : index
    %get3A_13 = arith.constant 0 : index
    %get3A_14 = vector.load %arg2[%get3A_12, %get3A_13] : memref<1024x768xf32, #tpu.memory_space<vmem>>, vector<1024x64xf32>
    %get3A_15 = arith.constant 0 : index
    %get3A_16 = arith.constant 0 : index
    %get3A_17 = vector.load %arg3[%get3A_15, %get3A_16] : memref<1024x768xf32, #tpu.memory_space<vmem>>, vector<1024x64xf32>
    %dot_general3A = arith.constant dense<0.000000e+00> : vector<512x1024xf32>
    %dot_general3A_18 = tpu.matmul %mul3A_11, %get3A_14, %dot_general3A {dimension_numbers = #tpu.dot_dimension_numbers<[1], [1], [0], [0], [0, 0, 1, 0], [], []>, transpose_lhs_hint = false} : vector<512x64xf32>, vector<1024x64xf32>, vector<512x1024xf32> -> vector<512x1024xf32>
    %add3A_19 = arith.addf %dot_general3A_18, %select_n3A : vector<512x1024xf32>
    %exp3A = math.exp %add3A_19 : vector<512x1024xf32>
    %reduce_sum3A = arith.constant dense<0.000000e+00> : vector<512xf32>
    %reduce_sum3A_20 = vector.multi_reduction <add>, %exp3A, %reduce_sum3A [1] : vector<512x1024xf32> to vector<512xf32>
    %broadcast_in_dim3A_21 = vector.shape_cast %reduce_sum3A_20 : vector<512xf32> to vector<512x1xf32>
    %dot_general3A_22 = arith.constant dense<0.000000e+00> : vector<512x64xf32>
    %dot_general3A_23 = tpu.matmul %exp3A, %get3A_17, %dot_general3A_22 {dimension_numbers = #tpu.dot_dimension_numbers<[1], [0], [0], [1], [0, 0, 1, 1], [], []>, transpose_lhs_hint = false} : vector<512x1024xf32>, vector<1024x64xf32>, vector<512x64xf32> -> vector<512x64xf32>
    %div3A = vector.broadcast %broadcast_in_dim3A_21 : vector<512x1xf32> to vector<512x64xf32>
    %div3A_24 = arith.divf %dot_general3A_23, %div3A : vector<512x64xf32>
    %get3A_25 = arith.constant 0 : index
    %get3A_26 = arith.constant 64 : index
    %get3A_27 = vector.load %arg1[%get3A_25, %get3A_26] : memref<512x768xf32, #tpu.memory_space<vmem>>, vector<512x64xf32>
    %mul3A_28 = arith.constant 1.250000e-01 : f32
    %mul3A_29 = vector.broadcast %mul3A_28 : f32 to vector<512x64xf32>
    %mul3A_30 = arith.mulf %get3A_27, %mul3A_29 : vector<512x64xf32>
    %get3A_31 = arith.constant 0 : index
    %get3A_32 = arith.constant 64 : index
    %get3A_33 = vector.load %arg2[%get3A_31, %get3A_32] : memref<1024x768xf32, #tpu.memory_space<vmem>>, vector<1024x64xf32>
    %get3A_34 = arith.constant 0 : index
    %get3A_35 = arith.constant 64 : index
    %get3A_36 = vector.load %arg3[%get3A_34, %get3A_35] : memref<1024x768xf32, #tpu.memory_space<vmem>>, vector<1024x64xf32>
    %dot_general3A_37 = arith.constant dense<0.000000e+00> : vector<512x1024xf32>
    %dot_general3A_38 = tpu.matmul %mul3A_30, %get3A_33, %dot_general3A_37 {dimension_numbers = #tpu.dot_dimension_numbers<[1], [1], [0], [0], [0, 0, 1, 0], [], []>, transpose_lhs_hint = false} : vector<512x64xf32>, vector<1024x64xf32>, vector<512x1024xf32> -> vector<512x1024xf32>
    %add3A_39 = arith.addf %dot_general3A_38, %select_n3A : vector<512x1024xf32>
    %exp3A_40 = math.exp %add3A_39 : vector<512x1024xf32>
    %reduce_sum3A_41 = arith.constant dense<0.000000e+00> : vector<512xf32>
    %reduce_sum3A_42 = vector.multi_reduction <add>, %exp3A_40, %reduce_sum3A_41 [1] : vector<512x1024xf32> to vector<512xf32>
    %broadcast_in_dim3A_43 = vector.shape_cast %reduce_sum3A_42 : vector<512xf32> to vector<512x1xf32>
    %dot_general3A_44 = arith.constant dense<0.000000e+00> : vector<512x64xf32>
    %dot_general3A_45 = tpu.matmul %exp3A_40, %get3A_36, %dot_general3A_44 {dimension_numbers = #tpu.dot_dimension_numbers<[1], [0], [0], [1], [0, 0, 1, 1], [], []>, transpose_lhs_hint = false} : vector<512x1024xf32>, vector<1024x64xf32>, vector<512x64xf32> -> vector<512x64xf32>
    %div3A_46 = vector.broadcast %broadcast_in_dim3A_43 : vector<512x1xf32> to vector<512x64xf32>
    %div3A_47 = arith.divf %dot_general3A_45, %div3A_46 : vector<512x64xf32>
    %get3A_48 = arith.constant 0 : index
    %get3A_49 = arith.constant 128 : index
    %get3A_50 = vector.load %arg1[%get3A_48, %get3A_49] : memref<512x768xf32, #tpu.memory_space<vmem>>, vector<512x64xf32>
    %mul3A_51 = arith.constant 1.250000e-01 : f32
    %mul3A_52 = vector.broadcast %mul3A_51 : f32 to vector<512x64xf32>
    %mul3A_53 = arith.mulf %get3A_50, %mul3A_52 : vector<512x64xf32>
    %get3A_54 = arith.constant 0 : index
    %get3A_55 = arith.constant 128 : index
    %get3A_56 = vector.load %arg2[%get3A_54, %get3A_55] : memref<1024x768xf32, #tpu.memory_space<vmem>>, vector<1024x64xf32>
    %get3A_57 = arith.constant 0 : index
    %get3A_58 = arith.constant 128 : index
    %get3A_59 = vector.load %arg3[%get3A_57, %get3A_58] : memref<1024x768xf32, #tpu.memory_space<vmem>>, vector<1024x64xf32>
    %dot_general3A_60 = arith.constant dense<0.000000e+00> : vector<512x1024xf32>
    %dot_general3A_61 = tpu.matmul %mul3A_53, %get3A_56, %dot_general3A_60 {dimension_numbers = #tpu.dot_dimension_numbers<[1], [1], [0], [0], [0, 0, 1, 0], [], []>, transpose_lhs_hint = false} : vector<512x64xf32>, vector<1024x64xf32>, vector<512x1024xf32> -> vector<512x1024xf32>
    %add3A_62 = arith.addf %dot_general3A_61, %select_n3A : vector<512x1024xf32>
    %exp3A_63 = math.exp %add3A_62 : vector<512x1024xf32>
    %reduce_sum3A_64 = arith.constant dense<0.000000e+00> : vector<512xf32>
    %reduce_sum3A_65 = vector.multi_reduction <add>, %exp3A_63, %reduce_sum3A_64 [1] : vector<512x1024xf32> to vector<512xf32>
    %broadcast_in_dim3A_66 = vector.shape_cast %reduce_sum3A_65 : vector<512xf32> to vector<512x1xf32>
    %dot_general3A_67 = arith.constant dense<0.000000e+00> : vector<512x64xf32>
    %dot_general3A_68 = tpu.matmul %exp3A_63, %get3A_59, %dot_general3A_67 {dimension_numbers = #tpu.dot_dimension_numbers<[1], [0], [0], [1], [0, 0, 1, 1], [], []>, transpose_lhs_hint = false} : vector<512x1024xf32>, vector<1024x64xf32>, vector<512x64xf32> -> vector<512x64xf32>
    %div3A_69 = vector.broadcast %broadcast_in_dim3A_66 : vector<512x1xf32> to vector<512x64xf32>
    %div3A_70 = arith.divf %dot_general3A_68, %div3A_69 : vector<512x64xf32>
    %get3A_71 = arith.constant 0 : index
    %get3A_72 = arith.constant 192 : index
    %get3A_73 = vector.load %arg1[%get3A_71, %get3A_72] : memref<512x768xf32, #tpu.memory_space<vmem>>, vector<512x64xf32>
    %mul3A_74 = arith.constant 1.250000e-01 : f32
    %mul3A_75 = vector.broadcast %mul3A_74 : f32 to vector<512x64xf32>
    %mul3A_76 = arith.mulf %get3A_73, %mul3A_75 : vector<512x64xf32>
    %get3A_77 = arith.constant 0 : index
    %get3A_78 = arith.constant 192 : index
    %get3A_79 = vector.load %arg2[%get3A_77, %get3A_78] : memref<1024x768xf32, #tpu.memory_space<vmem>>, vector<1024x64xf32>
    %get3A_80 = arith.constant 0 : index
    %get3A_81 = arith.constant 192 : index
    %get3A_82 = vector.load %arg3[%get3A_80, %get3A_81] : memref<1024x768xf32, #tpu.memory_space<vmem>>, vector<1024x64xf32>
    %dot_general3A_83 = arith.constant dense<0.000000e+00> : vector<512x1024xf32>
    %dot_general3A_84 = tpu.matmul %mul3A_76, %get3A_79, %dot_general3A_83 {dimension_numbers = #tpu.dot_dimension_numbers<[1], [1], [0], [0], [0, 0, 1, 0], [], []>, transpose_lhs_hint = false} : vector<512x64xf32>, vector<1024x64xf32>, vector<512x1024xf32> -> vector<512x1024xf32>
    %add3A_85 = arith.addf %dot_general3A_84, %select_n3A : vector<512x1024xf32>
    %exp3A_86 = math.exp %add3A_85 : vector<512x1024xf32>
    %reduce_sum3A_87 = arith.constant dense<0.000000e+00> : vector<512xf32>
    %reduce_sum3A_88 = vector.multi_reduction <add>, %exp3A_86, %reduce_sum3A_87 [1] : vector<512x1024xf32> to vector<512xf32>
    %broadcast_in_dim3A_89 = vector.shape_cast %reduce_sum3A_88 : vector<512xf32> to vector<512x1xf32>
    %dot_general3A_90 = arith.constant dense<0.000000e+00> : vector<512x64xf32>
    %dot_general3A_91 = tpu.matmul %exp3A_86, %get3A_82, %dot_general3A_90 {dimension_numbers = #tpu.dot_dimension_numbers<[1], [0], [0], [1], [0, 0, 1, 1], [], []>, transpose_lhs_hint = false} : vector<512x1024xf32>, vector<1024x64xf32>, vector<512x64xf32> -> vector<512x64xf32>
    %div3A_92 = vector.broadcast %broadcast_in_dim3A_89 : vector<512x1xf32> to vector<512x64xf32>
    %div3A_93 = arith.divf %dot_general3A_91, %div3A_92 : vector<512x64xf32>
    %get3A_94 = arith.constant 0 : index
    %get3A_95 = arith.constant 256 : index
    %get3A_96 = vector.load %arg1[%get3A_94, %get3A_95] : memref<512x768xf32, #tpu.memory_space<vmem>>, vector<512x64xf32>
    %mul3A_97 = arith.constant 1.250000e-01 : f32
    %mul3A_98 = vector.broadcast %mul3A_97 : f32 to vector<512x64xf32>
    %mul3A_99 = arith.mulf %get3A_96, %mul3A_98 : vector<512x64xf32>
    %get3A_100 = arith.constant 0 : index
    %get3A_101 = arith.constant 256 : index
    %get3A_102 = vector.load %arg2[%get3A_100, %get3A_101] : memref<1024x768xf32, #tpu.memory_space<vmem>>, vector<1024x64xf32>
    %get3A_103 = arith.constant 0 : index
    %get3A_104 = arith.constant 256 : index
    %get3A_105 = vector.load %arg3[%get3A_103, %get3A_104] : memref<1024x768xf32, #tpu.memory_space<vmem>>, vector<1024x64xf32>
    %dot_general3A_106 = arith.constant dense<0.000000e+00> : vector<512x1024xf32>
    %dot_general3A_107 = tpu.matmul %mul3A_99, %get3A_102, %dot_general3A_106 {dimension_numbers = #tpu.dot_dimension_numbers<[1], [1], [0], [0], [0, 0, 1, 0], [], []>, transpose_lhs_hint = false} : vector<512x64xf32>, vector<1024x64xf32>, vector<512x1024xf32> -> vector<512x1024xf32>
    %add3A_108 = arith.addf %dot_general3A_107, %select_n3A : vector<512x1024xf32>
    %exp3A_109 = math.exp %add3A_108 : vector<512x1024xf32>
    %reduce_sum3A_110 = arith.constant dense<0.000000e+00> : vector<512xf32>
    %reduce_sum3A_111 = vector.multi_reduction <add>, %exp3A_109, %reduce_sum3A_110 [1] : vector<512x1024xf32> to vector<512xf32>
    %broadcast_in_dim3A_112 = vector.shape_cast %reduce_sum3A_111 : vector<512xf32> to vector<512x1xf32>
    %dot_general3A_113 = arith.constant dense<0.000000e+00> : vector<512x64xf32>
    %dot_general3A_114 = tpu.matmul %exp3A_109, %get3A_105, %dot_general3A_113 {dimension_numbers = #tpu.dot_dimension_numbers<[1], [0], [0], [1], [0, 0, 1, 1], [], []>, transpose_lhs_hint = false} : vector<512x1024xf32>, vector<1024x64xf32>, vector<512x64xf32> -> vector<512x64xf32>
    %div3A_115 = vector.broadcast %broadcast_in_dim3A_112 : vector<512x1xf32> to vector<512x64xf32>
    %div3A_116 = arith.divf %dot_general3A_114, %div3A_115 : vector<512x64xf32>
    %get3A_117 = arith.constant 0 : index
    %get3A_118 = arith.constant 320 : index
    %get3A_119 = vector.load %arg1[%get3A_117, %get3A_118] : memref<512x768xf32, #tpu.memory_space<vmem>>, vector<512x64xf32>
    %mul3A_120 = arith.constant 1.250000e-01 : f32
    %mul3A_121 = vector.broadcast %mul3A_120 : f32 to vector<512x64xf32>
    %mul3A_122 = arith.mulf %get3A_119, %mul3A_121 : vector<512x64xf32>
    %get3A_123 = arith.constant 0 : index
    %get3A_124 = arith.constant 320 : index
    %get3A_125 = vector.load %arg2[%get3A_123, %get3A_124] : memref<1024x768xf32, #tpu.memory_space<vmem>>, vector<1024x64xf32>
    %get3A_126 = arith.constant 0 : index
    %get3A_127 = arith.constant 320 : index
    %get3A_128 = vector.load %arg3[%get3A_126, %get3A_127] : memref<1024x768xf32, #tpu.memory_space<vmem>>, vector<1024x64xf32>
    %dot_general3A_129 = arith.constant dense<0.000000e+00> : vector<512x1024xf32>
    %dot_general3A_130 = tpu.matmul %mul3A_122, %get3A_125, %dot_general3A_129 {dimension_numbers = #tpu.dot_dimension_numbers<[1], [1], [0], [0], [0, 0, 1, 0], [], []>, transpose_lhs_hint = false} : vector<512x64xf32>, vector<1024x64xf32>, vector<512x1024xf32> -> vector<512x1024xf32>
    %add3A_131 = arith.addf %dot_general3A_130, %select_n3A : vector<512x1024xf32>
    %exp3A_132 = math.exp %add3A_131 : vector<512x1024xf32>
    %reduce_sum3A_133 = arith.constant dense<0.000000e+00> : vector<512xf32>
    %reduce_sum3A_134 = vector.multi_reduction <add>, %exp3A_132, %reduce_sum3A_133 [1] : vector<512x1024xf32> to vector<512xf32>
    %broadcast_in_dim3A_135 = vector.shape_cast %reduce_sum3A_134 : vector<512xf32> to vector<512x1xf32>
    %dot_general3A_136 = arith.constant dense<0.000000e+00> : vector<512x64xf32>
    %dot_general3A_137 = tpu.matmul %exp3A_132, %get3A_128, %dot_general3A_136 {dimension_numbers = #tpu.dot_dimension_numbers<[1], [0], [0], [1], [0, 0, 1, 1], [], []>, transpose_lhs_hint = false} : vector<512x1024xf32>, vector<1024x64xf32>, vector<512x64xf32> -> vector<512x64xf32>
    %div3A_138 = vector.broadcast %broadcast_in_dim3A_135 : vector<512x1xf32> to vector<512x64xf32>
    %div3A_139 = arith.divf %dot_general3A_137, %div3A_138 : vector<512x64xf32>
    %get3A_140 = arith.constant 0 : index
    %get3A_141 = arith.constant 384 : index
    %get3A_142 = vector.load %arg1[%get3A_140, %get3A_141] : memref<512x768xf32, #tpu.memory_space<vmem>>, vector<512x64xf32>
    %mul3A_143 = arith.constant 1.250000e-01 : f32
    %mul3A_144 = vector.broadcast %mul3A_143 : f32 to vector<512x64xf32>
    %mul3A_145 = arith.mulf %get3A_142, %mul3A_144 : vector<512x64xf32>
    %get3A_146 = arith.constant 0 : index
    %get3A_147 = arith.constant 384 : index
    %get3A_148 = vector.load %arg2[%get3A_146, %get3A_147] : memref<1024x768xf32, #tpu.memory_space<vmem>>, vector<1024x64xf32>
    %get3A_149 = arith.constant 0 : index
    %get3A_150 = arith.constant 384 : index
    %get3A_151 = vector.load %arg3[%get3A_149, %get3A_150] : memref<1024x768xf32, #tpu.memory_space<vmem>>, vector<1024x64xf32>
    %dot_general3A_152 = arith.constant dense<0.000000e+00> : vector<512x1024xf32>
    %dot_general3A_153 = tpu.matmul %mul3A_145, %get3A_148, %dot_general3A_152 {dimension_numbers = #tpu.dot_dimension_numbers<[1], [1], [0], [0], [0, 0, 1, 0], [], []>, transpose_lhs_hint = false} : vector<512x64xf32>, vector<1024x64xf32>, vector<512x1024xf32> -> vector<512x1024xf32>
    %add3A_154 = arith.addf %dot_general3A_153, %select_n3A : vector<512x1024xf32>
    %exp3A_155 = math.exp %add3A_154 : vector<512x1024xf32>
    %reduce_sum3A_156 = arith.constant dense<0.000000e+00> : vector<512xf32>
    %reduce_sum3A_157 = vector.multi_reduction <add>, %exp3A_155, %reduce_sum3A_156 [1] : vector<512x1024xf32> to vector<512xf32>
    %broadcast_in_dim3A_158 = vector.shape_cast %reduce_sum3A_157 : vector<512xf32> to vector<512x1xf32>
    %dot_general3A_159 = arith.constant dense<0.000000e+00> : vector<512x64xf32>
    %dot_general3A_160 = tpu.matmul %exp3A_155, %get3A_151, %dot_general3A_159 {dimension_numbers = #tpu.dot_dimension_numbers<[1], [0], [0], [1], [0, 0, 1, 1], [], []>, transpose_lhs_hint = false} : vector<512x1024xf32>, vector<1024x64xf32>, vector<512x64xf32> -> vector<512x64xf32>
    %div3A_161 = vector.broadcast %broadcast_in_dim3A_158 : vector<512x1xf32> to vector<512x64xf32>
    %div3A_162 = arith.divf %dot_general3A_160, %div3A_161 : vector<512x64xf32>
    %get3A_163 = arith.constant 0 : index
    %get3A_164 = arith.constant 448 : index
    %get3A_165 = vector.load %arg1[%get3A_163, %get3A_164] : memref<512x768xf32, #tpu.memory_space<vmem>>, vector<512x64xf32>
    %mul3A_166 = arith.constant 1.250000e-01 : f32
    %mul3A_167 = vector.broadcast %mul3A_166 : f32 to vector<512x64xf32>
    %mul3A_168 = arith.mulf %get3A_165, %mul3A_167 : vector<512x64xf32>
    %get3A_169 = arith.constant 0 : index
    %get3A_170 = arith.constant 448 : index
    %get3A_171 = vector.load %arg2[%get3A_169, %get3A_170] : memref<1024x768xf32, #tpu.memory_space<vmem>>, vector<1024x64xf32>
    %get3A_172 = arith.constant 0 : index
    %get3A_173 = arith.constant 448 : index
    %get3A_174 = vector.load %arg3[%get3A_172, %get3A_173] : memref<1024x768xf32, #tpu.memory_space<vmem>>, vector<1024x64xf32>
    %dot_general3A_175 = arith.constant dense<0.000000e+00> : vector<512x1024xf32>
    %dot_general3A_176 = tpu.matmul %mul3A_168, %get3A_171, %dot_general3A_175 {dimension_numbers = #tpu.dot_dimension_numbers<[1], [1], [0], [0], [0, 0, 1, 0], [], []>, transpose_lhs_hint = false} : vector<512x64xf32>, vector<1024x64xf32>, vector<512x1024xf32> -> vector<512x1024xf32>
    %add3A_177 = arith.addf %dot_general3A_176, %select_n3A : vector<512x1024xf32>
    %exp3A_178 = math.exp %add3A_177 : vector<512x1024xf32>
    %reduce_sum3A_179 = arith.constant dense<0.000000e+00> : vector<512xf32>
    %reduce_sum3A_180 = vector.multi_reduction <add>, %exp3A_178, %reduce_sum3A_179 [1] : vector<512x1024xf32> to vector<512xf32>
    %broadcast_in_dim3A_181 = vector.shape_cast %reduce_sum3A_180 : vector<512xf32> to vector<512x1xf32>
    %dot_general3A_182 = arith.constant dense<0.000000e+00> : vector<512x64xf32>
    %dot_general3A_183 = tpu.matmul %exp3A_178, %get3A_174, %dot_general3A_182 {dimension_numbers = #tpu.dot_dimension_numbers<[1], [0], [0], [1], [0, 0, 1, 1], [], []>, transpose_lhs_hint = false} : vector<512x1024xf32>, vector<1024x64xf32>, vector<512x64xf32> -> vector<512x64xf32>
    %div3A_184 = vector.broadcast %broadcast_in_dim3A_181 : vector<512x1xf32> to vector<512x64xf32>
    %div3A_185 = arith.divf %dot_general3A_183, %div3A_184 : vector<512x64xf32>
    %get3A_186 = arith.constant 0 : index
    %get3A_187 = arith.constant 512 : index
    %get3A_188 = vector.load %arg1[%get3A_186, %get3A_187] : memref<512x768xf32, #tpu.memory_space<vmem>>, vector<512x64xf32>
    %mul3A_189 = arith.constant 1.250000e-01 : f32
    %mul3A_190 = vector.broadcast %mul3A_189 : f32 to vector<512x64xf32>
    %mul3A_191 = arith.mulf %get3A_188, %mul3A_190 : vector<512x64xf32>
    %get3A_192 = arith.constant 0 : index
    %get3A_193 = arith.constant 512 : index
    %get3A_194 = vector.load %arg2[%get3A_192, %get3A_193] : memref<1024x768xf32, #tpu.memory_space<vmem>>, vector<1024x64xf32>
    %get3A_195 = arith.constant 0 : index
    %get3A_196 = arith.constant 512 : index
    %get3A_197 = vector.load %arg3[%get3A_195, %get3A_196] : memref<1024x768xf32, #tpu.memory_space<vmem>>, vector<1024x64xf32>
    %dot_general3A_198 = arith.constant dense<0.000000e+00> : vector<512x1024xf32>
    %dot_general3A_199 = tpu.matmul %mul3A_191, %get3A_194, %dot_general3A_198 {dimension_numbers = #tpu.dot_dimension_numbers<[1], [1], [0], [0], [0, 0, 1, 0], [], []>, transpose_lhs_hint = false} : vector<512x64xf32>, vector<1024x64xf32>, vector<512x1024xf32> -> vector<512x1024xf32>
    %add3A_200 = arith.addf %dot_general3A_199, %select_n3A : vector<512x1024xf32>
    %exp3A_201 = math.exp %add3A_200 : vector<512x1024xf32>
    %reduce_sum3A_202 = arith.constant dense<0.000000e+00> : vector<512xf32>
    %reduce_sum3A_203 = vector.multi_reduction <add>, %exp3A_201, %reduce_sum3A_202 [1] : vector<512x1024xf32> to vector<512xf32>
    %broadcast_in_dim3A_204 = vector.shape_cast %reduce_sum3A_203 : vector<512xf32> to vector<512x1xf32>
    %dot_general3A_205 = arith.constant dense<0.000000e+00> : vector<512x64xf32>
    %dot_general3A_206 = tpu.matmul %exp3A_201, %get3A_197, %dot_general3A_205 {dimension_numbers = #tpu.dot_dimension_numbers<[1], [0], [0], [1], [0, 0, 1, 1], [], []>, transpose_lhs_hint = false} : vector<512x1024xf32>, vector<1024x64xf32>, vector<512x64xf32> -> vector<512x64xf32>
    %div3A_207 = vector.broadcast %broadcast_in_dim3A_204 : vector<512x1xf32> to vector<512x64xf32>
    %div3A_208 = arith.divf %dot_general3A_206, %div3A_207 : vector<512x64xf32>
    %get3A_209 = arith.constant 0 : index
    %get3A_210 = arith.constant 576 : index
    %get3A_211 = vector.load %arg1[%get3A_209, %get3A_210] : memref<512x768xf32, #tpu.memory_space<vmem>>, vector<512x64xf32>
    %mul3A_212 = arith.constant 1.250000e-01 : f32
    %mul3A_213 = vector.broadcast %mul3A_212 : f32 to vector<512x64xf32>
    %mul3A_214 = arith.mulf %get3A_211, %mul3A_213 : vector<512x64xf32>
    %get3A_215 = arith.constant 0 : index
    %get3A_216 = arith.constant 576 : index
    %get3A_217 = vector.load %arg2[%get3A_215, %get3A_216] : memref<1024x768xf32, #tpu.memory_space<vmem>>, vector<1024x64xf32>
    %get3A_218 = arith.constant 0 : index
    %get3A_219 = arith.constant 576 : index
    %get3A_220 = vector.load %arg3[%get3A_218, %get3A_219] : memref<1024x768xf32, #tpu.memory_space<vmem>>, vector<1024x64xf32>
    %dot_general3A_221 = arith.constant dense<0.000000e+00> : vector<512x1024xf32>
    %dot_general3A_222 = tpu.matmul %mul3A_214, %get3A_217, %dot_general3A_221 {dimension_numbers = #tpu.dot_dimension_numbers<[1], [1], [0], [0], [0, 0, 1, 0], [], []>, transpose_lhs_hint = false} : vector<512x64xf32>, vector<1024x64xf32>, vector<512x1024xf32> -> vector<512x1024xf32>
    %add3A_223 = arith.addf %dot_general3A_222, %select_n3A : vector<512x1024xf32>
    %exp3A_224 = math.exp %add3A_223 : vector<512x1024xf32>
    %reduce_sum3A_225 = arith.constant dense<0.000000e+00> : vector<512xf32>
    %reduce_sum3A_226 = vector.multi_reduction <add>, %exp3A_224, %reduce_sum3A_225 [1] : vector<512x1024xf32> to vector<512xf32>
    %broadcast_in_dim3A_227 = vector.shape_cast %reduce_sum3A_226 : vector<512xf32> to vector<512x1xf32>
    %dot_general3A_228 = arith.constant dense<0.000000e+00> : vector<512x64xf32>
    %dot_general3A_229 = tpu.matmul %exp3A_224, %get3A_220, %dot_general3A_228 {dimension_numbers = #tpu.dot_dimension_numbers<[1], [0], [0], [1], [0, 0, 1, 1], [], []>, transpose_lhs_hint = false} : vector<512x1024xf32>, vector<1024x64xf32>, vector<512x64xf32> -> vector<512x64xf32>
    %div3A_230 = vector.broadcast %broadcast_in_dim3A_227 : vector<512x1xf32> to vector<512x64xf32>
    %div3A_231 = arith.divf %dot_general3A_229, %div3A_230 : vector<512x64xf32>
    %get3A_232 = arith.constant 0 : index
    %get3A_233 = arith.constant 640 : index
    %get3A_234 = vector.load %arg1[%get3A_232, %get3A_233] : memref<512x768xf32, #tpu.memory_space<vmem>>, vector<512x64xf32>
    %mul3A_235 = arith.constant 1.250000e-01 : f32
    %mul3A_236 = vector.broadcast %mul3A_235 : f32 to vector<512x64xf32>
    %mul3A_237 = arith.mulf %get3A_234, %mul3A_236 : vector<512x64xf32>
    %get3A_238 = arith.constant 0 : index
    %get3A_239 = arith.constant 640 : index
    %get3A_240 = vector.load %arg2[%get3A_238, %get3A_239] : memref<1024x768xf32, #tpu.memory_space<vmem>>, vector<1024x64xf32>
    %get3A_241 = arith.constant 0 : index
    %get3A_242 = arith.constant 640 : index
    %get3A_243 = vector.load %arg3[%get3A_241, %get3A_242] : memref<1024x768xf32, #tpu.memory_space<vmem>>, vector<1024x64xf32>
    %dot_general3A_244 = arith.constant dense<0.000000e+00> : vector<512x1024xf32>
    %dot_general3A_245 = tpu.matmul %mul3A_237, %get3A_240, %dot_general3A_244 {dimension_numbers = #tpu.dot_dimension_numbers<[1], [1], [0], [0], [0, 0, 1, 0], [], []>, transpose_lhs_hint = false} : vector<512x64xf32>, vector<1024x64xf32>, vector<512x1024xf32> -> vector<512x1024xf32>
    %add3A_246 = arith.addf %dot_general3A_245, %select_n3A : vector<512x1024xf32>
    %exp3A_247 = math.exp %add3A_246 : vector<512x1024xf32>
    %reduce_sum3A_248 = arith.constant dense<0.000000e+00> : vector<512xf32>
    %reduce_sum3A_249 = vector.multi_reduction <add>, %exp3A_247, %reduce_sum3A_248 [1] : vector<512x1024xf32> to vector<512xf32>
    %broadcast_in_dim3A_250 = vector.shape_cast %reduce_sum3A_249 : vector<512xf32> to vector<512x1xf32>
    %dot_general3A_251 = arith.constant dense<0.000000e+00> : vector<512x64xf32>
    %dot_general3A_252 = tpu.matmul %exp3A_247, %get3A_243, %dot_general3A_251 {dimension_numbers = #tpu.dot_dimension_numbers<[1], [0], [0], [1], [0, 0, 1, 1], [], []>, transpose_lhs_hint = false} : vector<512x1024xf32>, vector<1024x64xf32>, vector<512x64xf32> -> vector<512x64xf32>
    %div3A_253 = vector.broadcast %broadcast_in_dim3A_250 : vector<512x1xf32> to vector<512x64xf32>
    %div3A_254 = arith.divf %dot_general3A_252, %div3A_253 : vector<512x64xf32>
    %get3A_255 = arith.constant 0 : index
    %get3A_256 = arith.constant 704 : index
    %get3A_257 = vector.load %arg1[%get3A_255, %get3A_256] : memref<512x768xf32, #tpu.memory_space<vmem>>, vector<512x64xf32>
    %mul3A_258 = arith.constant 1.250000e-01 : f32
    %mul3A_259 = vector.broadcast %mul3A_258 : f32 to vector<512x64xf32>
    %mul3A_260 = arith.mulf %get3A_257, %mul3A_259 : vector<512x64xf32>
    %get3A_261 = arith.constant 0 : index
    %get3A_262 = arith.constant 704 : index
    %get3A_263 = vector.load %arg2[%get3A_261, %get3A_262] : memref<1024x768xf32, #tpu.memory_space<vmem>>, vector<1024x64xf32>
    %get3A_264 = arith.constant 0 : index
    %get3A_265 = arith.constant 704 : index
    %get3A_266 = vector.load %arg3[%get3A_264, %get3A_265] : memref<1024x768xf32, #tpu.memory_space<vmem>>, vector<1024x64xf32>
    %dot_general3A_267 = arith.constant dense<0.000000e+00> : vector<512x1024xf32>
    %dot_general3A_268 = tpu.matmul %mul3A_260, %get3A_263, %dot_general3A_267 {dimension_numbers = #tpu.dot_dimension_numbers<[1], [1], [0], [0], [0, 0, 1, 0], [], []>, transpose_lhs_hint = false} : vector<512x64xf32>, vector<1024x64xf32>, vector<512x1024xf32> -> vector<512x1024xf32>
    %add3A_269 = arith.addf %dot_general3A_268, %select_n3A : vector<512x1024xf32>
    %exp3A_270 = math.exp %add3A_269 : vector<512x1024xf32>
    %reduce_sum3A_271 = arith.constant dense<0.000000e+00> : vector<512xf32>
    %reduce_sum3A_272 = vector.multi_reduction <add>, %exp3A_270, %reduce_sum3A_271 [1] : vector<512x1024xf32> to vector<512xf32>
    %broadcast_in_dim3A_273 = vector.shape_cast %reduce_sum3A_272 : vector<512xf32> to vector<512x1xf32>
    %dot_general3A_274 = arith.constant dense<0.000000e+00> : vector<512x64xf32>
    %dot_general3A_275 = tpu.matmul %exp3A_270, %get3A_266, %dot_general3A_274 {dimension_numbers = #tpu.dot_dimension_numbers<[1], [0], [0], [1], [0, 0, 1, 1], [], []>, transpose_lhs_hint = false} : vector<512x1024xf32>, vector<1024x64xf32>, vector<512x64xf32> -> vector<512x64xf32>
    %div3A_276 = vector.broadcast %broadcast_in_dim3A_273 : vector<512x1xf32> to vector<512x64xf32>
    %div3A_277 = arith.divf %dot_general3A_275, %div3A_276 : vector<512x64xf32>
    %concatenate3A = tpu.concatenate %div3A_24, %div3A_47, %div3A_70, %div3A_93, %div3A_116, %div3A_139, %div3A_162, %div3A_185, %div3A_208, %div3A_231, %div3A_254, %div3A_277 in 1 : vector<512x64xf32>, vector<512x64xf32>, vector<512x64xf32>, vector<512x64xf32>, vector<512x64xf32>, vector<512x64xf32>, vector<512x64xf32>, vector<512x64xf32>, vector<512x64xf32>, vector<512x64xf32>, vector<512x64xf32>, vector<512x64xf32> -> vector<512x768xf32>
    %swap3A = arith.constant 0 : index
    %swap3A_278 = arith.constant 0 : index
    %swap3A_279 = vector.load %arg4[%swap3A, %swap3A_278] : memref<512x768xf32, #tpu.memory_space<vmem>>, vector<512x768xf32>
    tpu.vector_store %arg4[%swap3A, %swap3A_278], %concatenate3A {strides = array<i32>} : memref<512x768xf32, #tpu.memory_space<vmem>>, vector<512x768xf32>,
    return
  }
  func.func @transform_0(%arg0: i32) -> (i32, i32) {
    %add3A = arith.constant 0 : i32
    %add3A_0 = arith.addi %add3A, %arg0 : i32
    %c0_i32 = arith.constant 0 : i32
    %c0_i32_1 = arith.constant 0 : i32
    return %add3A_0, %c0_i32 : i32, i32
  }
  func.func @transform_1(%arg0: i32) -> (i32, i32) {
    %c0_i32 = arith.constant 0 : i32
    %c0_i32_0 = arith.constant 0 : i32
    %c0_i32_1 = arith.constant 0 : i32
    return %c0_i32, %c0_i32_0 : i32, i32
  }
  func.func @transform_2(%arg0: i32) -> (i32, i32) {
    %c0_i32 = arith.constant 0 : i32
    %c0_i32_0 = arith.constant 0 : i32
    %c0_i32_1 = arith.constant 0 : i32
    return %c0_i32, %c0_i32_0 : i32, i32
  }
  func.func @transform_3(%arg0: i32) -> (i32, i32) {
    %c0_i32 = arith.constant 0 : i32
    %c0_i32_0 = arith.constant 0 : i32
    return %arg0, %c0_i32 : i32, i32
  }
}

module attributes {stable_mosaic.version = 14 : i64} {
  func.func @_proj_route_body(%arg0: i32, %arg1: memref<1024x768xf32, #tpu.memory_space<vmem>>, %arg2: memref<768x768xf32, #tpu.memory_space<vmem>>, %arg3: memref<1024x768xf32, #tpu.memory_space<vmem>>, %arg4: memref<1x768xf32, #tpu.memory_space<vmem>>, %arg5: memref<768x64xf32, #tpu.memory_space<vmem>>, %arg6: memref<1024x768xf32, #tpu.memory_space<vmem>>, %arg7: memref<1024x768xf32, #tpu.memory_space<vmem>>, %arg8: memref<1024x128xi32, #tpu.memory_space<vmem>>, %arg9: memref<1x64xf32, #tpu.memory_space<vmem>>) attributes {dimension_semantics = [#tpu.dimension_semantics<arbitrary>], iteration_bounds = array<i64: 2>, scalar_prefetch = 0 : i64, scratch_operands = 1 : i64, tpu.core_type = #tpu.core_type<tc>, window_params = [{transform_indices = @transform_0, window_bounds = array<i64: 1024, 768>}, {pipeline_mode = #tpu.pipeline_mode<synchronous>, transform_indices = @transform_1, window_bounds = array<i64: 768, 768>}, {transform_indices = @transform_2, window_bounds = array<i64: 1024, 768>}, {pipeline_mode = #tpu.pipeline_mode<synchronous>, transform_indices = @transform_3, window_bounds = array<i64: 1, 768>}, {pipeline_mode = #tpu.pipeline_mode<synchronous>, transform_indices = @transform_4, window_bounds = array<i64: 768, 64>}, {transform_indices = @transform_5, window_bounds = array<i64: 1024, 768>}, {transform_indices = @transform_6, window_bounds = array<i64: 1024, 768>}, {transform_indices = @transform_7, window_bounds = array<i64: 1024, 128>}]} {
    %eq3A = arith.constant 0 : i32
    %eq3A_0 = arith.cmpi eq, %arg0, %eq3A : i32
    %convert_element_type3A = arith.extui %eq3A_0 : i1 to i32
    %cond3A = arith.constant 0 : i32
    %cond3A_1 = arith.cmpi ne, %convert_element_type3A, %cond3A : i32
    scf.if %cond3A_1 {
      %broadcast_in_dim3A_86 = arith.constant 0.000000e+00 : f32
      %broadcast_in_dim3A_87 = vector.broadcast %broadcast_in_dim3A_86 : f32 to vector<1x64xf32>
      %swap3A_88 = arith.constant 0 : index
      %swap3A_89 = arith.constant 0 : index
      %swap3A_90 = vector.load %arg9[%swap3A_88, %swap3A_89] : memref<1x64xf32, #tpu.memory_space<vmem>>, vector<1x64xf32>
      tpu.vector_store %arg9[%swap3A_88, %swap3A_89], %broadcast_in_dim3A_87 {strides = array<i32>} : memref<1x64xf32, #tpu.memory_space<vmem>>, vector<1x64xf32>,
    } else {
    }
    %get3A = arith.constant 0 : index
    %get3A_2 = arith.constant 0 : index
    %get3A_3 = vector.load %arg3[%get3A, %get3A_2] : memref<1024x768xf32, #tpu.memory_space<vmem>>, vector<1024x768xf32>
    %get3A_4 = arith.constant 0 : index
    %get3A_5 = arith.constant 0 : index
    %get3A_6 = vector.load %arg1[%get3A_4, %get3A_5] : memref<1024x768xf32, #tpu.memory_space<vmem>>, vector<1024x768xf32>
    %get3A_7 = arith.constant 0 : index
    %get3A_8 = arith.constant 0 : index
    %get3A_9 = vector.load %arg2[%get3A_7, %get3A_8] : memref<768x768xf32, #tpu.memory_space<vmem>>, vector<768x768xf32>
    %dot_general3A = arith.constant dense<0.000000e+00> : vector<1024x768xf32>
    %dot_general3A_10 = tpu.matmul %get3A_6, %get3A_9, %dot_general3A {dimension_numbers = #tpu.dot_dimension_numbers<[1], [0], [0], [1], [0, 0, 1, 1], [], []>, transpose_lhs_hint = false} : vector<1024x768xf32>, vector<768x768xf32>, vector<1024x768xf32> -> vector<1024x768xf32>
    %add3A = arith.addf %get3A_3, %dot_general3A_10 : vector<1024x768xf32>
    %mul3A = arith.mulf %add3A, %add3A : vector<1024x768xf32>
    %reduce_sum3A = arith.constant dense<0.000000e+00> : vector<1024xf32>
    %reduce_sum3A_11 = vector.multi_reduction <add>, %mul3A, %reduce_sum3A [1] : vector<1024x768xf32> to vector<1024xf32>
    %broadcast_in_dim3A = vector.shape_cast %reduce_sum3A_11 : vector<1024xf32> to vector<1024x1xf32>
    %div3A = arith.constant 7.680000e+02 : f32
    %div3A_12 = vector.broadcast %div3A : f32 to vector<1024x1xf32>
    %div3A_13 = arith.divf %broadcast_in_dim3A, %div3A_12 : vector<1024x1xf32>
    %add3A_14 = arith.constant 9.99999974E-6 : f32
    %add3A_15 = vector.broadcast %add3A_14 : f32 to vector<1024x1xf32>
    %add3A_16 = arith.addf %div3A_13, %add3A_15 : vector<1024x1xf32>
    %rsqrt3A = math.rsqrt %add3A_16 : vector<1024x1xf32>
    %mul3A_17 = vector.broadcast %rsqrt3A : vector<1024x1xf32> to vector<1024x768xf32>
    %mul3A_18 = arith.mulf %add3A, %mul3A_17 : vector<1024x768xf32>
    %get3A_19 = arith.constant 0 : index
    %get3A_20 = arith.constant 0 : index
    %get3A_21 = vector.load %arg4[%get3A_19, %get3A_20] : memref<1x768xf32, #tpu.memory_space<vmem>>, vector<1x768xf32>
    %mul3A_22 = vector.broadcast %get3A_21 : vector<1x768xf32> to vector<1024x768xf32>
    %mul3A_23 = arith.mulf %mul3A_18, %mul3A_22 : vector<1024x768xf32>
    %get3A_24 = arith.constant 0 : index
    %get3A_25 = arith.constant 0 : index
    %get3A_26 = vector.load %arg5[%get3A_24, %get3A_25] : memref<768x64xf32, #tpu.memory_space<vmem>>, vector<768x64xf32>
    %dot_general3A_27 = arith.constant dense<0.000000e+00> : vector<1024x64xf32>
    %dot_general3A_28 = tpu.matmul %mul3A_23, %get3A_26, %dot_general3A_27 {dimension_numbers = #tpu.dot_dimension_numbers<[1], [0], [0], [1], [0, 0, 1, 1], [], []>, transpose_lhs_hint = false} : vector<1024x768xf32>, vector<768x64xf32>, vector<1024x64xf32> -> vector<1024x64xf32>
    %reduce_max3A = arith.constant dense<0xFF800000> : vector<1024xf32>
    %reduce_max3A_29 = vector.multi_reduction <maximumf>, %dot_general3A_28, %reduce_max3A [1] : vector<1024x64xf32> to vector<1024xf32>
    %broadcast_in_dim3A_30 = vector.shape_cast %reduce_max3A_29 : vector<1024xf32> to vector<1024x1xf32>
    %iota3A = tpu.iota {dimensions = array<i32: 1>} : vector<1024x64xi32>
    %eq3A_31 = vector.broadcast %broadcast_in_dim3A_30 : vector<1024x1xf32> to vector<1024x64xf32>
    %eq3A_32 = arith.cmpf oeq, %dot_general3A_28, %eq3A_31 : vector<1024x64xf32>
    %jit3A = arith.constant 64 : i32
    %broadcast_in_dim3A_33 = vector.broadcast %jit3A : i32 to vector<1024x64xi32>
    %select_n3A = arith.select %eq3A_32, %iota3A, %broadcast_in_dim3A_33 : vector<1024x64xi1>, vector<1024x64xi32>
    %reduce_min3A = arith.constant dense<2147483647> : vector<1024xi32>
    %reduce_min3A_34 = vector.multi_reduction <minsi>, %select_n3A, %reduce_min3A [1] : vector<1024x64xi32> to vector<1024xi32>
    %broadcast_in_dim3A_35 = vector.shape_cast %reduce_min3A_34 : vector<1024xi32> to vector<1024x1xi32>
    %eq3A_36 = vector.broadcast %broadcast_in_dim3A_35 : vector<1024x1xi32> to vector<1024x64xi32>
    %eq3A_37 = arith.cmpi eq, %iota3A, %eq3A_36 : vector<1024x64xi32>
    %convert_element_type3A_38 = arith.extui %eq3A_37 : vector<1024x64xi1> to vector<1024x64xi32>
    %convert_element_type3A_39 = arith.sitofp %convert_element_type3A_38 : vector<1024x64xi32> to vector<1024x64xf32>
    %iota3A_40 = tpu.iota {dimensions = array<i32: 0>} : vector<1024x1024xi32>
    %iota3A_41 = tpu.iota {dimensions = array<i32: 1>} : vector<1024x1024xi32>
    %lt3A = arith.cmpi slt, %iota3A_41, %iota3A_40 : vector<1024x1024xi32>
    %convert_element_type3A_42 = arith.extui %lt3A : vector<1024x1024xi1> to vector<1024x1024xi32>
    %convert_element_type3A_43 = arith.sitofp %convert_element_type3A_42 : vector<1024x1024xi32> to vector<1024x1024xf32>
    %dot_general3A_44 = arith.constant dense<0.000000e+00> : vector<1024x64xf32>
    %dot_general3A_45 = tpu.matmul %convert_element_type3A_43, %convert_element_type3A_39, %dot_general3A_44 {dimension_numbers = #tpu.dot_dimension_numbers<[1], [0], [0], [1], [0, 0, 1, 1], [], []>, transpose_lhs_hint = false} : vector<1024x1024xf32>, vector<1024x64xf32>, vector<1024x64xf32> -> vector<1024x64xf32>
    %get3A_46 = arith.constant 0 : index
    %get3A_47 = arith.constant 0 : index
    %get3A_48 = vector.load %arg9[%get3A_46, %get3A_47] : memref<1x64xf32, #tpu.memory_space<vmem>>, vector<1x64xf32>
    %add3A_49 = vector.broadcast %get3A_48 : vector<1x64xf32> to vector<1024x64xf32>
    %add3A_50 = arith.addf %add3A_49, %dot_general3A_45 : vector<1024x64xf32>
    %mul3A_51 = arith.mulf %add3A_50, %convert_element_type3A_39 : vector<1024x64xf32>
    %reduce_sum3A_52 = arith.constant dense<0.000000e+00> : vector<1024xf32>
    %reduce_sum3A_53 = vector.multi_reduction <add>, %mul3A_51, %reduce_sum3A_52 [1] : vector<1024x64xf32> to vector<1024xf32>
    %broadcast_in_dim3A_54 = vector.shape_cast %reduce_sum3A_53 : vector<1024xf32> to vector<1024x1xf32>
    %convert_element_type3A_55 = arith.fptosi %broadcast_in_dim3A_54 : vector<1024x1xf32> to vector<1024x1xi32>
    %get3A_56 = arith.constant 0 : index
    %get3A_57 = arith.constant 0 : index
    %get3A_58 = vector.load %arg9[%get3A_56, %get3A_57] : memref<1x64xf32, #tpu.memory_space<vmem>>, vector<1x64xf32>
    %reduce_sum3A_59 = arith.constant dense<0.000000e+00> : vector<64xf32>
    %reduce_sum3A_60 = vector.multi_reduction <add>, %convert_element_type3A_39, %reduce_sum3A_59 [0] : vector<1024x64xf32> to vector<64xf32>
    %broadcast_in_dim3A_61 = vector.shape_cast %reduce_sum3A_60 : vector<64xf32> to vector<1x64xf32>
    %add3A_62 = arith.addf %get3A_58, %broadcast_in_dim3A_61 : vector<1x64xf32>
    %swap3A = arith.constant 0 : index
    %swap3A_63 = arith.constant 0 : index
    %swap3A_64 = vector.load %arg9[%swap3A, %swap3A_63] : memref<1x64xf32, #tpu.memory_space<vmem>>, vector<1x64xf32>
    tpu.vector_store %arg9[%swap3A, %swap3A_63], %add3A_62 {strides = array<i32>} : memref<1x64xf32, #tpu.memory_space<vmem>>, vector<1x64xf32>,
    %mul3A_65 = arith.constant 40 : i32
    %mul3A_66 = vector.broadcast %mul3A_65 : i32 to vector<1024x1xi32>
    %mul3A_67 = arith.muli %broadcast_in_dim3A_35, %mul3A_66 : vector<1024x1xi32>
    %add3A_68 = arith.addi %mul3A_67, %convert_element_type3A_55 : vector<1024x1xi32>
    %lt3A_69 = arith.constant 40 : i32
    %lt3A_70 = vector.broadcast %lt3A_69 : i32 to vector<1024x1xi32>
    %lt3A_71 = arith.cmpi slt, %convert_element_type3A_55, %lt3A_70 : vector<1024x1xi32>
    %jit3A_72 = arith.constant 2560 : i32
    %broadcast_in_dim3A_73 = vector.broadcast %jit3A_72 : i32 to vector<1024x1xi32>
    %select_n3A_74 = arith.select %lt3A_71, %add3A_68, %broadcast_in_dim3A_73 : vector<1024x1xi1>, vector<1024x1xi32>
    %swap3A_75 = arith.constant 0 : index
    %swap3A_76 = arith.constant 0 : index
    %swap3A_77 = vector.load %arg6[%swap3A_75, %swap3A_76] : memref<1024x768xf32, #tpu.memory_space<vmem>>, vector<1024x768xf32>
    tpu.vector_store %arg6[%swap3A_75, %swap3A_76], %add3A {strides = array<i32>} : memref<1024x768xf32, #tpu.memory_space<vmem>>, vector<1024x768xf32>,
    %swap3A_78 = arith.constant 0 : index
    %swap3A_79 = arith.constant 0 : index
    %swap3A_80 = vector.load %arg7[%swap3A_78, %swap3A_79] : memref<1024x768xf32, #tpu.memory_space<vmem>>, vector<1024x768xf32>
    tpu.vector_store %arg7[%swap3A_78, %swap3A_79], %mul3A_23 {strides = array<i32>} : memref<1024x768xf32, #tpu.memory_space<vmem>>, vector<1024x768xf32>,
    %broadcast_in_dim3A_81 = vector.shape_cast %select_n3A_74 : vector<1024x1xi32> to vector<1024x1xi32>
    %broadcast_in_dim3A_82 = vector.broadcast %broadcast_in_dim3A_81 : vector<1024x1xi32> to vector<1024x128xi32>
    %swap3A_83 = arith.constant 0 : index
    %swap3A_84 = arith.constant 0 : index
    %swap3A_85 = vector.load %arg8[%swap3A_83, %swap3A_84] : memref<1024x128xi32, #tpu.memory_space<vmem>>, vector<1024x128xi32>
    tpu.vector_store %arg8[%swap3A_83, %swap3A_84], %broadcast_in_dim3A_82 {strides = array<i32>} : memref<1024x128xi32, #tpu.memory_space<vmem>>, vector<1024x128xi32>,
    return
  }
  func.func @transform_0(%arg0: i32) -> (i32, i32) {
    %c0_i32 = arith.constant 0 : i32
    %c0_i32_0 = arith.constant 0 : i32
    return %arg0, %c0_i32 : i32, i32
  }
  func.func @transform_1(%arg0: i32) -> (i32, i32) {
    %c0_i32 = arith.constant 0 : i32
    %c0_i32_0 = arith.constant 0 : i32
    %c0_i32_1 = arith.constant 0 : i32
    return %c0_i32, %c0_i32_0 : i32, i32
  }
  func.func @transform_2(%arg0: i32) -> (i32, i32) {
    %c0_i32 = arith.constant 0 : i32
    %c0_i32_0 = arith.constant 0 : i32
    return %arg0, %c0_i32 : i32, i32
  }
  func.func @transform_3(%arg0: i32) -> (i32, i32) {
    %c0_i32 = arith.constant 0 : i32
    %c0_i32_0 = arith.constant 0 : i32
    %c0_i32_1 = arith.constant 0 : i32
    return %c0_i32, %c0_i32_0 : i32, i32
  }
  func.func @transform_4(%arg0: i32) -> (i32, i32) {
    %c0_i32 = arith.constant 0 : i32
    %c0_i32_0 = arith.constant 0 : i32
    %c0_i32_1 = arith.constant 0 : i32
    return %c0_i32, %c0_i32_0 : i32, i32
  }
  func.func @transform_5(%arg0: i32) -> (i32, i32) {
    %c0_i32 = arith.constant 0 : i32
    %c0_i32_0 = arith.constant 0 : i32
    return %arg0, %c0_i32 : i32, i32
  }
  func.func @transform_6(%arg0: i32) -> (i32, i32) {
    %c0_i32 = arith.constant 0 : i32
    %c0_i32_0 = arith.constant 0 : i32
    return %arg0, %c0_i32 : i32, i32
  }
  func.func @transform_7(%arg0: i32) -> (i32, i32) {
    %c0_i32 = arith.constant 0 : i32
    %c0_i32_0 = arith.constant 0 : i32
    return %arg0, %c0_i32 : i32, i32
  }
}

module attributes {stable_mosaic.version = 14 : i64} {
  func.func @_ffn_body(%arg0: i32, %arg1: memref<40x768xf32, #tpu.memory_space<vmem>>, %arg2: memref<1x768x768xf32, #tpu.memory_space<vmem>>, %arg3: memref<1x768x768xf32, #tpu.memory_space<vmem>>, %arg4: memref<1x768x768xf32, #tpu.memory_space<vmem>>, %arg5: memref<40x768xf32, #tpu.memory_space<vmem>>) attributes {dimension_semantics = [#tpu.dimension_semantics<arbitrary>], iteration_bounds = array<i64: 65>, scalar_prefetch = 0 : i64, scratch_operands = 0 : i64, tpu.core_type = #tpu.core_type<tc>, window_params = [{transform_indices = @transform_0, window_bounds = array<i64: 40, 768>}, {transform_indices = @transform_1, window_bounds = array<i64: 1, 768, 768>}, {transform_indices = @transform_2, window_bounds = array<i64: 1, 768, 768>}, {transform_indices = @transform_3, window_bounds = array<i64: 1, 768, 768>}, {transform_indices = @transform_4, window_bounds = array<i64: 40, 768>}]} {
    %lt3A = arith.constant 64 : i32
    %lt3A_0 = arith.cmpi slt, %arg0, %lt3A : i32
    %convert_element_type3A = arith.extui %lt3A_0 : i1 to i32
    %cond3A = arith.constant 0 : i32
    %cond3A_1 = arith.cmpi ne, %convert_element_type3A, %cond3A : i32
    scf.if %cond3A_1 {
      %get3A = arith.constant 0 : index
      %get3A_6 = arith.constant 0 : index
      %get3A_7 = vector.load %arg1[%get3A, %get3A_6] : memref<40x768xf32, #tpu.memory_space<vmem>>, vector<40x768xf32>
      %get3A_8 = arith.constant 0 : index
      %get3A_9 = arith.constant 0 : index
      %get3A_10 = arith.constant 0 : index
      %get3A_11 = vector.load %arg2[%get3A_8, %get3A_9, %get3A_10] : memref<1x768x768xf32, #tpu.memory_space<vmem>>, vector<1x768x768xf32>
      %get3A_12 = vector.shape_cast %get3A_11 : vector<1x768x768xf32> to vector<768x768xf32>
      %dot_general3A = arith.constant dense<0.000000e+00> : vector<40x768xf32>
      %dot_general3A_13 = tpu.matmul %get3A_7, %get3A_12, %dot_general3A {dimension_numbers = #tpu.dot_dimension_numbers<[1], [0], [0], [1], [0, 0, 1, 1], [], []>, transpose_lhs_hint = false} : vector<40x768xf32>, vector<768x768xf32>, vector<40x768xf32> -> vector<40x768xf32>
      %get3A_14 = arith.constant 0 : index
      %get3A_15 = arith.constant 0 : index
      %get3A_16 = arith.constant 0 : index
      %get3A_17 = vector.load %arg3[%get3A_14, %get3A_15, %get3A_16] : memref<1x768x768xf32, #tpu.memory_space<vmem>>, vector<1x768x768xf32>
      %get3A_18 = vector.shape_cast %get3A_17 : vector<1x768x768xf32> to vector<768x768xf32>
      %dot_general3A_19 = arith.constant dense<0.000000e+00> : vector<40x768xf32>
      %dot_general3A_20 = tpu.matmul %get3A_7, %get3A_18, %dot_general3A_19 {dimension_numbers = #tpu.dot_dimension_numbers<[1], [0], [0], [1], [0, 0, 1, 1], [], []>, transpose_lhs_hint = false} : vector<40x768xf32>, vector<768x768xf32>, vector<40x768xf32> -> vector<40x768xf32>
      %neg3A = arith.constant 0.000000e+00 : f32
      %neg3A_21 = vector.broadcast %neg3A : f32 to vector<40x768xf32>
      %neg3A_22 = arith.subf %neg3A_21, %dot_general3A_13 : vector<40x768xf32>
      %exp3A = math.exp %neg3A_22 : vector<40x768xf32>
      %add3A = arith.constant 1.000000e+00 : f32
      %add3A_23 = vector.broadcast %add3A : f32 to vector<40x768xf32>
      %add3A_24 = arith.addf %add3A_23, %exp3A : vector<40x768xf32>
      %div3A = arith.constant 1.000000e+00 : f32
      %div3A_25 = vector.broadcast %div3A : f32 to vector<40x768xf32>
      %div3A_26 = arith.divf %div3A_25, %add3A_24 : vector<40x768xf32>
      %mul3A = arith.mulf %dot_general3A_13, %div3A_26 : vector<40x768xf32>
      %mul3A_27 = arith.mulf %mul3A, %dot_general3A_20 : vector<40x768xf32>
      %get3A_28 = arith.constant 0 : index
      %get3A_29 = arith.constant 0 : index
      %get3A_30 = arith.constant 0 : index
      %get3A_31 = vector.load %arg4[%get3A_28, %get3A_29, %get3A_30] : memref<1x768x768xf32, #tpu.memory_space<vmem>>, vector<1x768x768xf32>
      %get3A_32 = vector.shape_cast %get3A_31 : vector<1x768x768xf32> to vector<768x768xf32>
      %dot_general3A_33 = arith.constant dense<0.000000e+00> : vector<40x768xf32>
      %dot_general3A_34 = tpu.matmul %mul3A_27, %get3A_32, %dot_general3A_33 {dimension_numbers = #tpu.dot_dimension_numbers<[1], [0], [0], [1], [0, 0, 1, 1], [], []>, transpose_lhs_hint = false} : vector<40x768xf32>, vector<768x768xf32>, vector<40x768xf32> -> vector<40x768xf32>
      %swap3A = arith.constant 0 : index
      %swap3A_35 = arith.constant 0 : index
      %swap3A_36 = vector.load %arg5[%swap3A, %swap3A_35] : memref<40x768xf32, #tpu.memory_space<vmem>>, vector<40x768xf32>
      tpu.vector_store %arg5[%swap3A, %swap3A_35], %dot_general3A_34 {strides = array<i32>} : memref<40x768xf32, #tpu.memory_space<vmem>>, vector<40x768xf32>,
    } else {
    }
    %eq3A = arith.constant 64 : i32
    %eq3A_2 = arith.cmpi eq, %arg0, %eq3A : i32
    %convert_element_type3A_3 = arith.extui %eq3A_2 : i1 to i32
    %cond3A_4 = arith.constant 0 : i32
    %cond3A_5 = arith.cmpi ne, %convert_element_type3A_3, %cond3A_4 : i32
    scf.if %cond3A_5 {
      %broadcast_in_dim3A = arith.constant 0.000000e+00 : f32
      %broadcast_in_dim3A_6 = vector.broadcast %broadcast_in_dim3A : f32 to vector<40x768xf32>
      %swap3A = arith.constant 0 : index
      %swap3A_7 = arith.constant 0 : index
      %swap3A_8 = vector.load %arg5[%swap3A, %swap3A_7] : memref<40x768xf32, #tpu.memory_space<vmem>>, vector<40x768xf32>
      tpu.vector_store %arg5[%swap3A, %swap3A_7], %broadcast_in_dim3A_6 {strides = array<i32>} : memref<40x768xf32, #tpu.memory_space<vmem>>, vector<40x768xf32>,
    } else {
    }
    return
  }
  func.func @transform_0(%arg0: i32) -> (i32, i32) {
    %c0_i32 = arith.constant 0 : i32
    %c0_i32_0 = arith.constant 0 : i32
    return %arg0, %c0_i32 : i32, i32
  }
  func.func @transform_1(%arg0: i32) -> (i32, i32, i32) {
    %min3A = arith.constant 63 : i32
    %min3A_0 = arith.minsi %arg0, %min3A : i32
    %c0_i32 = arith.constant 0 : i32
    %c0_i32_1 = arith.constant 0 : i32
    %c0_i32_2 = arith.constant 0 : i32
    return %min3A_0, %c0_i32, %c0_i32_1 : i32, i32, i32
  }
  func.func @transform_2(%arg0: i32) -> (i32, i32, i32) {
    %min3A = arith.constant 63 : i32
    %min3A_0 = arith.minsi %arg0, %min3A : i32
    %c0_i32 = arith.constant 0 : i32
    %c0_i32_1 = arith.constant 0 : i32
    %c0_i32_2 = arith.constant 0 : i32
    return %min3A_0, %c0_i32, %c0_i32_1 : i32, i32, i32
  }
  func.func @transform_3(%arg0: i32) -> (i32, i32, i32) {
    %min3A = arith.constant 63 : i32
    %min3A_0 = arith.minsi %arg0, %min3A : i32
    %c0_i32 = arith.constant 0 : i32
    %c0_i32_1 = arith.constant 0 : i32
    %c0_i32_2 = arith.constant 0 : i32
    return %min3A_0, %c0_i32, %c0_i32_1 : i32, i32, i32
  }
  func.func @transform_4(%arg0: i32) -> (i32, i32) {
    %c0_i32 = arith.constant 0 : i32
    %c0_i32_0 = arith.constant 0 : i32
    return %arg0, %c0_i32 : i32, i32
  }
}

module attributes {stable_mosaic.version = 14 : i64} {
  func.func @_add_body(%arg0: i32, %arg1: memref<1024x768xf32, #tpu.memory_space<vmem>>, %arg2: memref<1024x768xf32, #tpu.memory_space<vmem>>, %arg3: memref<1024x768xf32, #tpu.memory_space<vmem>>) attributes {dimension_semantics = [#tpu.dimension_semantics<arbitrary>], iteration_bounds = array<i64: 2>, scalar_prefetch = 0 : i64, scratch_operands = 0 : i64, tpu.core_type = #tpu.core_type<tc>, window_params = [{transform_indices = @transform_0, window_bounds = array<i64: 1024, 768>}, {transform_indices = @transform_1, window_bounds = array<i64: 1024, 768>}, {transform_indices = @transform_2, window_bounds = array<i64: 1024, 768>}]} {
    %get3A = arith.constant 0 : index
    %get3A_0 = arith.constant 0 : index
    %get3A_1 = vector.load %arg1[%get3A, %get3A_0] : memref<1024x768xf32, #tpu.memory_space<vmem>>, vector<1024x768xf32>
    %get3A_2 = arith.constant 0 : index
    %get3A_3 = arith.constant 0 : index
    %get3A_4 = vector.load %arg2[%get3A_2, %get3A_3] : memref<1024x768xf32, #tpu.memory_space<vmem>>, vector<1024x768xf32>
    %add3A = arith.addf %get3A_1, %get3A_4 : vector<1024x768xf32>
    %swap3A = arith.constant 0 : index
    %swap3A_5 = arith.constant 0 : index
    %swap3A_6 = vector.load %arg3[%swap3A, %swap3A_5] : memref<1024x768xf32, #tpu.memory_space<vmem>>, vector<1024x768xf32>
    tpu.vector_store %arg3[%swap3A, %swap3A_5], %add3A {strides = array<i32>} : memref<1024x768xf32, #tpu.memory_space<vmem>>, vector<1024x768xf32>,
    return
  }
  func.func @transform_0(%arg0: i32) -> (i32, i32) {
    %c0_i32 = arith.constant 0 : i32
    %c0_i32_0 = arith.constant 0 : i32
    return %arg0, %c0_i32 : i32, i32
  }
  func.func @transform_1(%arg0: i32) -> (i32, i32) {
    %c0_i32 = arith.constant 0 : i32
    %c0_i32_0 = arith.constant 0 : i32
    return %arg0, %c0_i32 : i32, i32
  }
  func.func @transform_2(%arg0: i32) -> (i32, i32) {
    %c0_i32 = arith.constant 0 : i32
    %c0_i32_0 = arith.constant 0 : i32
    return %arg0, %c0_i32 : i32, i32
  }
}

</mosaic_0001>

<sc_bundles>
// kernel: kernel.10.cloned.1.call-start
scs
__scs_entry_jumppad:
0x0: {  	(pc) =	sbr.rel $0x88, $3  }
0x1: {  	(tag) =	ssettag $0x0;
	lr =	simm.s32 $0x1  }
0x2: {  	[smem:$0x3F96] =	sst lr;
	_ =	strace $0xD0000000  }
0x3: {  	_ = 	snop  }
0x4: {  	_ = 	snop  }
0x5: {  	_ = 	snop  }
0x6: {  	_ = 	snop  }
0x7: {  	_ = 	snop  }
__scs_overlays_trampoline_lowered:
0x8: {  	[smem:$0x3FA5] =	sst s0  }
0x9: {  	[smem:$0x3FA6] =	sst s1  }
0xa: {  	[smem:$0x3FA7] =	sst s2  }
0xb: {  	[smem:$0x3FA8] =	sst s3  }
0xc: {  	[smem:$0x3FA9] =	sst s4  }
0xd: {  	[smem:$0x3FAA] =	sst s5  }
0xe: {  	[smem:$0x3FAB] =	sst s6  }
0xf: {  	[smem:$0x3FAC] =	sst s7  }
0x10: {  	[smem:$0x3FAD] =	sst s8  }
0x11: {  	[smem:$0x3FAE] =	sst s9;
	s0 =	simm.s32 @!p0 $0x0  }
0x12: {  	s1 =	sld [smem:$0x3F94];
	s0 =	simm.s32 @p0 $0x1  }
0x13: {  	[smem:$0x3FAF] =	sst s0;
	s0 =	simm.s32 @!p1 $0x0  }
0x14: {  	s2 =	sld [smem:$0x3F93];
	s0 =	simm.s32 @p1 $0x1  }
0x15: {  	[smem:$0x3FB0] =	sst s0;
	s0 =	simm.s32 @!p2 $0x0  }
0x16: {  	s3 =	sld [smem:$0x3FDB];
	s0 =	simm.s32 @p2 $0x1  }
0x17: {  	s4 =	simm.s32 $0x1BF5;
	[smem:$0x3FB2] =	sst s0  }
0x18: {  	s0 =	sld [smem:$0x3F95];
	_ =	swait.ge [sflag:s4], $0x0  }
0x19: {  	s7 =	sld [smem:$0x3F96]  }
0x1a: {  	s8 =	sadd.s32 $0xFFFFE003, lr  }
0x1b: {  	s9 =	sadd.s32 $0xFFFFFEF7, lr;
	s5 =	simm.s32 $0xFFFFFFFF;
	p2 =	slt.u32 s8, $0xFFFFF086  }
0x1c: {  	p1 =	slt.u32 s9, $0xF7A;
	s5 =	simm.s32 @!p2 $0x0  }
0x1d: {  	s5 =	simm.s32 @p1 $0x1;
	p0 =	seq.s32 s7, s2  }
0x1e: {  	s7 =	smul.u32 @!p0 $0xF7A, s2;
	p2 =	seq.s32 @!p0 s5, $0x0  }
0x1f: {  	s9 =	smul.u32 $0xF7A, s1;
	s8 =	simm.s32 @!p0 $0x1BF5;
	p2 =	por !p2, p0  }
0x20: {  	[sflag:s8] =	ssyncset.s32 @!p0 $0xFFFFF086;
	s6 =	sadd.s32 @!p0 s3, s7;
	s7 =	simm.s32 @!p0 $0x108  }
0x21: {  	s3 =	sadd.s32 s3, s9;
	s6 =	sadd.s32 @!p0 $0x88, s6;
	s7 =	simm.s32 @p2 $0x1082  }
0x22: {  	[simem:s7], [sflag:s8] =	dma.local @!p0 [hbm:s6], $0xF7A  }
0x23: {  	s9 =	sor.u32 $0xD0000000, s2;
	s6 =	simm.s32 $0x108;
	_ =	swait.ge @!p0 [sflag:s8], $0x0  }
0x24: {  	s3 =	sadd.s32 $0x88, s3;
	s6 =	simm.s32 @!p1 $0x1082;
	[sflag:s4] =	ssyncset.s32 $0xFFFFF086  }
0x25: {  	[simem:s6], [sflag:s4] =	dma.local [hbm:s3], $0xF7A  }
0x26: {  	[smem:$0x3F96] =	sst s1;
	(tag) =	ssettag s2;
	_ =	strace s9  }
0x27: {  	s1 =	sld [smem:$0x3FA6]  }
0x28: {  	s2 =	sld [smem:$0x3FA7]  }
0x29: {  	s4 =	sld [smem:$0x3FA9]  }
0x2a: {  	p0 =	seq.s32 s5, $0x0;
	s5 =	sld [smem:$0x3FAA]  }
0x2b: {  	s6 =	sld [smem:$0x3FAB]  }
0x2c: {  	s7 =	sld [smem:$0x3FAC]  }
0x2d: {  	s3 =	simm.s32 $0x108;
	s8 =	sld [smem:$0x3FAD]  }
0x2e: {  	s3 =	simm.s32 @!p0 $0x1082;
	s9 =	sld [smem:$0x3FAE]  }
0x2f: {  	lr =	sadd.s32 s0, s3;
	s0 =	sld [smem:$0x3FA5]  }
0x30: {  	s3 =	sld [smem:$0x3FA8]  }
0x31: {  	[smem:$0x3FB1] =	sst s10  }
0x32: {  	s10 =	sld [smem:$0x3FAF];
	_ =	sdelay $0x3  }
0x33: {  	p0 =	seq.s32 s10, $0x1;
	s10 =	sld [smem:$0x3FB1];
	_ =	sdelay $0x3  }
0x34: {  	[smem:$0x3FB1] =	sst s10  }
0x35: {  	s10 =	sld [smem:$0x3FB0];
	_ =	sdelay $0x3  }
0x36: {  	p1 =	seq.s32 s10, $0x1;
	s10 =	sld [smem:$0x3FB1];
	_ =	sdelay $0x3  }
0x37: {  	[smem:$0x3FB1] =	sst s10  }
0x38: {  	s10 =	sld [smem:$0x3FB2]  }
0x39: {  	_ = 	snop;
	(pc) =	sbr.ind lr, $3  }
0x3a: {  	_ = 	snop  }
0x3b: {  	_ = 	snop  }
0x3c: {  	p2 =	seq.s32 s10, $0x1;
	s10 =	sld [smem:$0x3FB1]  }
0x3d: {  	_ =	shalt  }
0x3e: {  	_ =	shalt  }
0x3f: {  	_ =	shalt  }
0x40: {  	_ =	shalt  }
0x41: {  	_ =	shalt  }
0x42: {  	_ =	shalt  }
0x43: {  	_ =	shalt  }
0x44: {  	_ =	shalt  }
0x45: {  	_ =	shalt  }
0x46: {  	_ =	shalt  }
0x47: {  	_ =	shalt  }
0x48: {  	_ =	shalt  }
0x49: {  	_ =	shalt  }
0x4a: {  	_ =	shalt  }
0x4b: {  	_ =	shalt  }
0x4c: {  	_ =	shalt  }
0x4d: {  	_ =	shalt  }
0x4e: {  	_ =	shalt  }
0x4f: {  	_ =	shalt  }
0x50: {  	_ =	shalt  }
0x51: {  	_ =	shalt  }
0x52: {  	_ =	shalt  }
0x53: {  	_ =	shalt  }
0x54: {  	_ =	shalt  }
0x55: {  	_ =	shalt  }
0x56: {  	_ =	shalt  }
0x57: {  	_ =	shalt  }
0x58: {  	_ =	shalt  }
0x59: {  	_ =	shalt  }
0x5a: {  	_ =	shalt  }
0x5b: {  	_ =	shalt  }
0x5c: {  	_ =	shalt  }
0x5d: {  	_ =	shalt  }
0x5e: {  	_ =	shalt  }
0x5f: {  	_ =	shalt  }
0x60: {  	_ =	shalt  }
0x61: {  	_ =	shalt  }
0x62: {  	_ =	shalt  }
0x63: {  	_ =	shalt  }
0x64: {  	_ =	shalt  }
0x65: {  	_ =	shalt  }
0x66: {  	_ =	shalt  }
0x67: {  	_ =	shalt  }
0x68: {  	_ =	shalt  }
0x69: {  	_ =	shalt  }
0x6a: {  	_ =	shalt  }
0x6b: {  	_ =	shalt  }
0x6c: {  	_ =	shalt  }
0x6d: {  	_ =	shalt  }
0x6e: {  	_ =	shalt  }
0x6f: {  	_ =	shalt  }
0x70: {  	_ =	shalt  }
0x71: {  	_ =	shalt  }
0x72: {  	_ =	shalt  }
0x73: {  	_ =	shalt  }
0x74: {  	_ =	shalt  }
0x75: {  	_ =	shalt  }
0x76: {  	_ =	shalt  }
0x77: {  	_ =	shalt  }
0x78: {  	_ =	shalt  }
0x79: {  	_ =	shalt  }
0x7a: {  	_ =	shalt  }
0x7b: {  	_ =	shalt  }
0x7c: {  	_ =	shalt  }
0x7d: {  	_ =	shalt  }
0x7e: {  	_ =	shalt  }
0x7f: {  	_ =	shalt  }
0x80: {  	_ =	shalt  }
0x81: {  	_ =	shalt  }
0x82: {  	_ =	shalt  }
0x83: {  	_ =	shalt  }
0x84: {  	_ =	shalt  }
0x85: {  	_ =	shalt  }
0x86: {  	_ =	shalt  }
0x87: {  	_ =	shalt  }
.Lfunc_end0:
.L_simem_size_0:
called_computation_lowered:
.L_overlay_start_0:
0x88: {  	s2 =	sld [smem:$0x3FD9]  }
0x89: {  	s3 =	sld [smem:$0x3FFE];
	_ =	sdelay $0x1  }
0x8a: {  	s1 =	srdreg.scid  }
0x8b: {  	s0 =	sand.u32 $0x1, s1  }
0x8c: {  	s16 =	sshll.u32 s0, $0xA;
	s2 =	sadd.s32 s3, s2  }
0x8d: {  	s2 =	sadd.s32 s2, s16  }
0x8e: {  	[smem:$0x3FBD] =	sst s2  }
0x8f: {  	_ = 	snop  }
0x90: {  	(tm) =	ssettm $0x1  }
0x91: {  	s17 =	sld [smem:$0x3FFB];
	_ =	sdelay $0x3  }
0x92: {  	_ =	strace s17  }
0x93: {  	s2 =	sld [smem:$0x3FFC];
	_ =	sdelay $0x3  }
0x94: {  	_ =	strace s2  }
0x95: {  	s2 =	sld [smem:$0x3FFD];
	_ =	sdelay $0x3  }
0x96: {  	_ =	strace s2  }
0x97: {  	_ =	strace $0x8FFFFFFF  }
0x98: {  	s18 =	sld [smem:$0x3FDB];
	_ =	sdelay $0x1  }
0x99: {  	s19 =	simm.s32 $_scs_section_size  }
0x9a: {  	s4 =	simm.s32 $_size__tile_overlayer_lowered;
	s5 =	simm.s32 $_tile_overlayer_lowered  }
0x9b: {  	s22 =	simm.s32 $0x1BFF;
	s21 =	sshll.u32 s5, $0x1;
	s2 =	sadd.s32 s19, s18  }
0x9c: {  	s6 =	simm.s32 $0x0;
	s20 =	sshll.u32 s4, $0x1;
	s4 =	sadd.s32 s21, s2  }
0x9d: {  	[timem:s6], [sflag:s22] =	dma.local [hbm:s4], s20  }
0x9e: {  	_ =	swait.ge [sflag:s22], s20  }
0x9f: {  	s3 =	ssub.s32 $0x0, s20;
	[sflag:s22] =	ssyncset.done $0x0  }
0xa0: {  	[sflag:s22] =	ssyncadd.s32 s3;
	_ =	sdelay $0x1  }
0xa1: {  	s23 =	simm.s32 $0x1B8B  }
0xa2: {  	_ =	swait.ge [sflag:s23], $0x1  }
0xa3: {  	[sflag:s23] =	ssyncset.done $0x0  }
0xa4: {  	s25 =	simm.s32 $0x1B8E;
	s24 =	sld [smem:$0x3FFE];
	[sflag:s23] =	ssyncadd.s32 $0xFFFFFFFF  }
0xa5: {  	s26 =	simm.s32 $execute0_lowered;
	[smem:$0x3FD2] =	sst s25  }
0xa6: {  	s4 =	sshll.u32 s26, $0x1;
	_ =	strace $0x80000046;
	[dreg:$0x1] =	wrdreg $0xFFFFFFFF  }
0xa7: {  	s28 =	simm.s32 $_size_execute0_lowered;
	s2 =	sadd.s32 s2, s4;
	[dreg:$0x0] =	wrdreg $0x0  }
0xa8: {  	s4 =	sshll.u32 s28, $0x1;
	[dreg:$0x2] =	wrdreg s2  }
0xa9: {  	[dreg:$0x3] =	wrdreg s4  }
0xaa: {  	[dreg:$0x4] =	wrdreg $0xC0  }
0xab: {  	_ =	task [dreg:s6], $0x5FFFF  }
0xac: {  	[dreg:$0x1] =	wrdreg $0xFFFFFFFF  }
0xad: {  	[dreg:$0x0] =	wrdreg $0x60  }
0xae: {  	[dreg:$0x2] =	wrdreg s24  }
0xaf: {  	[dreg:$0x3] =	wrdreg $0x9  }
0xb0: {  	_ =	task.clear_ibuf [dreg:s6], $0x4FFFF;
	_ =	strace $0x90000046  }
0xb1: {  	s29 =	simm.s32 $0x9;
	_ =	strace $0x80000048  }
0xb2: {  	_ =	swait.ge [sflag:s29], $0x1  }
0xb3: {  	[sflag:s29] =	ssyncadd.s32 $0xFFFFFFFF  }
0xb4: {  	_ =	strace $0x90000048  }
0xb5: {  	_ =	sfence  }
0xb6: {  	s30 =	sld [smem:$0x0];
	_ =	sdelay $0x2  }
0xb7: {  	s31 =	sshll.u32 s1, $0xD;
	s1 =	sshrl.u32 s1, $0x2  }
0xb8: {  	s3 =	sand.u32 $0x4000, s31;
	s1 =	sadd.s32 s1, s30  }
0xb9: {  	s0 =	sor.u32 s3, s0;
	s1 =	sshll.u32 s1, $0x11  }
0xba: {  	s0 =	sor.u32 s1, s0  }
0xbb: {  	s0 =	sadd.s32 $0x8F2B, s0  }
0xbc: {  	[sflag:s0] =	ssyncadd.remote.s32 $0x1  }
0xbd: {  	_ =	sfence.sel $0xFFFF  }
0xbe: {  	[dreg:$0x0] =	wrdreg $0xFFFFFFFF;
	(pc) =	sbr.abs _section_cstart, $3  }
0xbf: {  	[dreg:$0x1] =	wrdreg $0xFFFFFFFF  }
0xc0: {  	_ =	task.clear_ibuf [dreg:s6], $0x2FFFF;
	_ =	strace $0x9FFFFFFF  }
0xc1: {  	(tm) =	ssettm $0x7FFFFFFF  }
tec
execute0_lowered:
.L_overlay_start_1:
0x0: {  	(tag) =	ssettag $0x1  }
0x1: {  	s1 =	srdreg.scid;
	s0 =	stileid.u32  }
0x2: {  	s5 =	rddreg [dreg:$0x0];
	s2 =	simm.s32 $0x0;
	s7 =	simm.s32 $0x80  }
0x3: {  	s8 =	simm.s32 $0x1;
	s26 =	simm.s32 $0x880;
	s9 =	simm.s32 $0x2  }
0x4: {  	s11 =	simm.s32 $0x1880;
	s12 =	simm.s32 $0x2080;
	s13 =	simm.s32 $0x2880  }
0x5: {  	s14 =	simm.s32 $0x3080;
	s15 =	simm.s32 $0x3880;
	s16 =	simm.s32 $0x4080  }
0x6: {  	s17 =	simm.s32 $0x4880;
	s18 =	simm.s32 $0x5080;
	s19 =	simm.s32 $0x5880  }
0x7: {  	s20 =	simm.s32 $0x6080;
	s21 =	simm.s32 $0x6880;
	s22 =	simm.s32 $0x7080  }
0x8: {  	s23 =	simm.s32 $0x7880;
	s24 =	simm.s32 $0x8080;
	s25 =	simm.s32 $0x8880  }
0x9: {  	s28 =	simm.s32 $0x9880;
	s29 =	simm.s32 $0xA080;
	s30 =	simm.s32 $0xA880  }
0xa: {  	s31 =	simm.s32 $0xB080;
	s1 =	sand.u32 $0x1, s1;
	[smem:$0x7FF] =	sst s2  }
0xb: {  	s3 =	sshll.u32 s0, $0x4;
	s4 =	sshll.u32 s1, $0x3;
	_ =	strace $0x80000047  }
0xc: {  	s1 =	ssub.s32 $0x2, s1;
	[dreg:$0x4] =	wrdreg s26;
	s3 =	sor.u32 s4, s3  }
0xd: {  	s6 =	sshrl.u32 s1, $0x1;
	s4 =	smul.u32 $0x300, s3;
	s3 =	sadd.s32 s3, s5  }
0xe: {  	s26 =	simm.s32 $0x9080;
	s1 =	ssub.s32 s1, s6;
	s3 =	sadd.s32 $0x32600, s3  }
0xf: {  	v2 =	vlaneseq.u32;
	s6 =	smax.u32 s1, $0x1;
	s1 =	simm.s32 $0xB880;
	s4 =	sadd.s32 s4, s5  }
0x10: {  	vm0 =	vmmov $0xffff;
	v1 =	vshrl.u32 v2, $0x3;
	[dreg:$0x2] =	wrdreg s3;
	s3 =	sadd.s32 $0x32800, s5;
	s4 =	sadd.s32 $0x2600, s4  }
0x11: {  	v0 =	vand.u32 $0x7, v2;
	v2 =	vor.u32 $0x8, v2;
	v1 =	vmul.u32 $0x8, v1;
	[dreg:$0x3] =	wrdreg s4;
	s4 =	sadd.s32 $0x32900, s5;
	s5 =	sadd.s32 $0x32A00, s5  }
.LBB2_1:
0x12: {  	s0 =	rddreg [dreg:$0x2]  }
0x13: {  	[tilespmem:s2], [sflag:$0x1] =	stream.linear.gather [hbm4b:s0+s2], $0x40, $0x38;
	[tilespmem:$0xC080] =	vst v63  }
0x14: {  	s10 =	rddreg [dreg:$0x3]  }
0x15: {  	[tilespmem:s7], [sflag:$0x2] =	stream.linear.gather [hbm4b:s10+s2], $0xC000, $0x38;
	[tilespmem:$0xC080] =	vst v63  }
0x16: {  	_ =	swait.ge [sflag:s8], $0x40  }
0x17: {  	[sflag:s8] =	ssyncset.done $0x0  }
0x18: {  	[sflag:s8] =	ssyncadd.s32 $0xFFFFFFC0  }
0x19: {  	_ =	swait.ge [sflag:s9], $0xC000  }
0x1a: {  	[sflag:s9] =	ssyncset.done $0x0  }
0x1b: {  	[sflag:s9] =	ssyncadd.s32 $0xFFFF4000  }
0x1c: {  	v3 =	vld [tilespmem:$0x0];
	_ =	sdelay $0x4  }
0x1d: {  	v4 =	vshrl.u32 v3, $0x3  }
0x1e: {  	v4 =	vmul.u32 $0x30, v4  }
0x1f: {  	v3 =	vand.u32 $0x7, v3  }
0x20: {  	v3 =	vor.u32 v3, v4  }
0x21: {  	v4 =	vperm.xlane v3, v0;
	_ =	sdelay $0x1  }
0x22: {  	v4 =	vadd.s32 v1, v4;
	_ =	sdelay $0x3  }
0x23: {  	v3 =	vperm.xlane v3, v2  }
0x24: {  	[hbm4b:s3+s2] =	stream.indirect_vreg.scatter [tilespmem:s7], [sflag:$0x1], $0x80, v4, vm0, $0xb8;
	[tilespmem:$0xC080] =	vst v63  }
0x25: {  	s10 =	rddreg [dreg:$0x4];
	v3 =	vadd.s32 v1, v3  }
0x26: {  	[hbm4b:s4+s2] =	stream.indirect_vreg.scatter [tilespmem:s10], [sflag:$0x1], $0x80, v4, vm0, $0xb8;
	[tilespmem:$0xC080] =	vst v63  }
0x27: {  	s10 =	simm.s32 $0x1080  }
0x28: {  	[hbm4b:s5+s2] =	stream.indirect_vreg.scatter [tilespmem:s10], [sflag:$0x1], $0x80, v4, vm0, $0xb8;
	[tilespmem:$0xC080] =	vst v63  }
0x29: {  	_ = 	snop  }
0x2a: {  	[hbm4b:s3+s2] =	stream.indirect_vreg.scatter [tilespmem:s11], [sflag:$0x1], $0x80, v3, vm0, $0xb8;
	[tilespmem:$0xC080] =	vst v63  }
0x2b: {  	_ = 	snop  }
0x2c: {  	[hbm4b:s4+s2] =	stream.indirect_vreg.scatter [tilespmem:s12], [sflag:$0x1], $0x80, v3, vm0, $0xb8;
	[tilespmem:$0xC080] =	vst v63  }
0x2d: {  	_ = 	snop  }
0x2e: {  	[hbm4b:s5+s2] =	stream.indirect_vreg.scatter [tilespmem:s13], [sflag:$0x1], $0x80, v3, vm0, $0xb8;
	[tilespmem:$0xC080] =	vst v63  }
0x2f: {  	v3 =	vld [tilespmem:$0x10];
	_ =	sdelay $0x4  }
0x30: {  	v61 =	vshrl.u32 v3, $0x3  }
0x31: {  	v4 =	vmul.u32 $0x30, v61  }
0x32: {  	v3 =	vand.u32 $0x7, v3  }
0x33: {  	v3 =	vor.u32 v3, v4  }
0x34: {  	v4 =	vperm.xlane v3, v0;
	_ =	sdelay $0x1  }
0x35: {  	v4 =	vadd.s32 v1, v4;
	_ =	sdelay $0x3  }
0x36: {  	v3 =	vperm.xlane v3, v2  }
0x37: {  	[hbm4b:s3+s2] =	stream.indirect_vreg.scatter [tilespmem:s14], [sflag:$0x1], $0x80, v4, vm0, $0xb8;
	[tilespmem:$0xC080] =	vst v63  }
0x38: {  	v3 =	vadd.s32 v1, v3  }
0x39: {  	[hbm4b:s4+s2] =	stream.indirect_vreg.scatter [tilespmem:s15], [sflag:$0x1], $0x80, v4, vm0, $0xb8;
	[tilespmem:$0xC080] =	vst v63  }
0x3a: {  	_ = 	snop  }
0x3b: {  	[hbm4b:s5+s2] =	stream.indirect_vreg.scatter [tilespmem:s16], [sflag:$0x1], $0x80, v4, vm0, $0xb8;
	[tilespmem:$0xC080] =	vst v63  }
0x3c: {  	_ = 	snop  }
0x3d: {  	[hbm4b:s3+s2] =	stream.indirect_vreg.scatter [tilespmem:s17], [sflag:$0x1], $0x80, v3, vm0, $0xb8;
	[tilespmem:$0xC080] =	vst v63  }
0x3e: {  	_ = 	snop  }
0x3f: {  	[hbm4b:s4+s2] =	stream.indirect_vreg.scatter [tilespmem:s18], [sflag:$0x1], $0x80, v3, vm0, $0xb8;
	[tilespmem:$0xC080] =	vst v63  }
0x40: {  	_ = 	snop  }
0x41: {  	[hbm4b:s5+s2] =	stream.indirect_vreg.scatter [tilespmem:s19], [sflag:$0x1], $0x80, v3, vm0, $0xb8;
	[tilespmem:$0xC080] =	vst v63  }
0x42: {  	v3 =	vld [tilespmem:$0x20];
	_ =	sdelay $0x4  }
0x43: {  	v62 =	vshrl.u32 v3, $0x3  }
0x44: {  	v4 =	vmul.u32 $0x30, v62  }
0x45: {  	v3 =	vand.u32 $0x7, v3  }
0x46: {  	v3 =	vor.u32 v3, v4  }
0x47: {  	v4 =	vperm.xlane v3, v0;
	_ =	sdelay $0x1  }
0x48: {  	v4 =	vadd.s32 v1, v4;
	_ =	sdelay $0x3  }
0x49: {  	v3 =	vperm.xlane v3, v2  }
0x4a: {  	[hbm4b:s3+s2] =	stream.indirect_vreg.scatter [tilespmem:s20], [sflag:$0x1], $0x80, v4, vm0, $0xb8;
	[tilespmem:$0xC080] =	vst v63  }
0x4b: {  	v3 =	vadd.s32 v1, v3  }
0x4c: {  	[hbm4b:s4+s2] =	stream.indirect_vreg.scatter [tilespmem:s21], [sflag:$0x1], $0x80, v4, vm0, $0xb8;
	[tilespmem:$0xC080] =	vst v63  }
0x4d: {  	_ = 	snop  }
0x4e: {  	[hbm4b:s5+s2] =	stream.indirect_vreg.scatter [tilespmem:s22], [sflag:$0x1], $0x80, v4, vm0, $0xb8;
	[tilespmem:$0xC080] =	vst v63  }
0x4f: {  	_ = 	snop  }
0x50: {  	[hbm4b:s3+s2] =	stream.indirect_vreg.scatter [tilespmem:s23], [sflag:$0x1], $0x80, v3, vm0, $0xb8;
	[tilespmem:$0xC080] =	vst v63  }
0x51: {  	_ = 	snop  }
0x52: {  	[hbm4b:s4+s2] =	stream.indirect_vreg.scatter [tilespmem:s24], [sflag:$0x1], $0x80, v3, vm0, $0xb8;
	[tilespmem:$0xC080] =	vst v63  }
0x53: {  	_ = 	snop  }
0x54: {  	[hbm4b:s5+s2] =	stream.indirect_vreg.scatter [tilespmem:s25], [sflag:$0x1], $0x80, v3, vm0, $0xb8;
	[tilespmem:$0xC080] =	vst v63  }
0x55: {  	v3 =	vld [tilespmem:$0x30];
	_ =	sdelay $0x4  }
0x56: {  	v63 =	vshrl.u32 v3, $0x3  }
0x57: {  	v4 =	vmul.u32 $0x30, v63  }
0x58: {  	v3 =	vand.u32 $0x7, v3  }
0x59: {  	v3 =	vor.u32 v3, v4  }
0x5a: {  	v4 =	vperm.xlane v3, v0;
	_ =	sdelay $0x1  }
0x5b: {  	v4 =	vadd.s32 v1, v4;
	_ =	sdelay $0x3  }
0x5c: {  	v3 =	vperm.xlane v3, v2  }
0x5d: {  	[hbm4b:s3+s2] =	stream.indirect_vreg.scatter [tilespmem:s26], [sflag:$0x1], $0x80, v4, vm0, $0xb8;
	[tilespmem:$0xC080] =	vst v63  }
0x5e: {  	v3 =	vadd.s32 v1, v3  }
0x5f: {  	[hbm4b:s4+s2] =	stream.indirect_vreg.scatter [tilespmem:s28], [sflag:$0x1], $0x80, v4, vm0, $0xb8;
	[tilespmem:$0xC080] =	vst v63  }
0x60: {  	_ = 	snop  }
0x61: {  	[hbm4b:s5+s2] =	stream.indirect_vreg.scatter [tilespmem:s29], [sflag:$0x1], $0x80, v4, vm0, $0xb8;
	[tilespmem:$0xC080] =	vst v63  }
0x62: {  	_ = 	snop  }
0x63: {  	[hbm4b:s3+s2] =	stream.indirect_vreg.scatter [tilespmem:s30], [sflag:$0x1], $0x80, v3, vm0, $0xb8;
	[tilespmem:$0xC080] =	vst v63  }
0x64: {  	p0 =	sne.s32 s6, $0x1  }
0x65: {  	[hbm4b:s4+s2] =	stream.indirect_vreg.scatter [tilespmem:s31], [sflag:$0x1], $0x80, v3, vm0, $0xb8;
	[tilespmem:$0xC080] =	vst v63  }
.Ltmp0:
0x66: {  	_ = 	snop;
	(pc) =	sbr.rel @p0 .LBB2_1-.Ltmp0, $4  }
0x67: {  	[hbm4b:s5+s2] =	stream.indirect_vreg.scatter [tilespmem:s1], [sflag:$0x1], $0x80, v3, vm0, $0xb8;
	[tilespmem:$0xC080] =	vst v63  }
0x68: {  	_ =	swait.ge [sflag:s8], $0xC000  }
0x69: {  	[sflag:s8] =	ssyncset.done $0x0  }
0x6a: {  	s6 =	sadd.s32 $0xFFFFFFFF, s6;
	[sflag:s8] =	ssyncadd.s32 $0xFFFF4000  }
0x6b: {  	_ =	sfence.sel $0x180000  }
0x6c: {  	[bflag:$0x0] =	sbarrier.arrive $0xFFFF  }
0x6d: {  	_ =	strace $0x90000047  }
0x6e: {  	s0 =	stileid.u32;
	[bflag:$0x2] =	sbarrier.arrive $0xFFFF  }
0x6f: {  	p0 =	sne.s32 s0, $0x0;
	s0 =	rddreg [dreg:$0x1]  }
0x70: {  	s0 =	sadd.s32 @!p0 $0x100000, s0  }
0x71: {  	[sflag:s0] =	ssyncadd.tile.s32 @!p0 $0x1;
	_ =	shalt  }
.Lfunc_end2:
_tile_overlayer_lowered:
.L_overlay_start_2:
0x72: {  	(tag) =	ssettag $0x2  }
0x73: {  	s0 =	rddreg [dreg:$0x0];
	s2 =	stileid.u32  }
0x74: {  	s1 =	rddreg [dreg:$0x1];
	p0 =	sne.s32 s2, $0x0  }
0x75: {  	s3 =	rddreg [dreg:$0x2];
	[bflag:$0x3] =	sbarrier.arrive $0xFFFF;
	s2 =	simm.s32 @!p0 $0x1C03  }
0x76: {  	[timem:s3], [sflag:s2] =	dma.local @!p0 [hbm:s0], s1  }
0x77: {  	s0 =	simm.s32 @!p0 $0x3  }
0x78: {  	_ =	swait.ge @!p0 [sflag:s0], s1  }
0x79: {  	s1 =	ssub.s32 @!p0 $0x0, s1;
	[sflag:s0] =	ssyncset.done @!p0 $0x0  }
0x7a: {  	[sflag:s0] =	ssyncadd.s32 @!p0 s1  }
0x7b: {  	[bflag:$0x3] =	sbarrier.arrive $0xFFFF  }
0x7c: {  	_ =	shalt  }

// kernel: kernel.13.cloned.1.call-start
scs
__scs_entry_jumppad:
0x0: {  	(pc) =	sbr.rel $0x88, $3  }
0x1: {  	(tag) =	ssettag $0x0;
	lr =	simm.s32 $0x1  }
0x2: {  	[smem:$0x3F96] =	sst lr;
	_ =	strace $0xD0000000  }
0x3: {  	_ = 	snop  }
0x4: {  	_ = 	snop  }
0x5: {  	_ = 	snop  }
0x6: {  	_ = 	snop  }
0x7: {  	_ = 	snop  }
__scs_overlays_trampoline_lowered:
0x8: {  	[smem:$0x3FA5] =	sst s0  }
0x9: {  	[smem:$0x3FA6] =	sst s1  }
0xa: {  	[smem:$0x3FA7] =	sst s2  }
0xb: {  	[smem:$0x3FA8] =	sst s3  }
0xc: {  	[smem:$0x3FA9] =	sst s4  }
0xd: {  	[smem:$0x3FAA] =	sst s5  }
0xe: {  	[smem:$0x3FAB] =	sst s6  }
0xf: {  	[smem:$0x3FAC] =	sst s7  }
0x10: {  	[smem:$0x3FAD] =	sst s8  }
0x11: {  	[smem:$0x3FAE] =	sst s9;
	s0 =	simm.s32 @!p0 $0x0  }
0x12: {  	s1 =	sld [smem:$0x3F94];
	s0 =	simm.s32 @p0 $0x1  }
0x13: {  	[smem:$0x3FAF] =	sst s0;
	s0 =	simm.s32 @!p1 $0x0  }
0x14: {  	s2 =	sld [smem:$0x3F93];
	s0 =	simm.s32 @p1 $0x1  }
0x15: {  	[smem:$0x3FB0] =	sst s0;
	s0 =	simm.s32 @!p2 $0x0  }
0x16: {  	s3 =	sld [smem:$0x3FDB];
	s0 =	simm.s32 @p2 $0x1  }
0x17: {  	s4 =	simm.s32 $0x1BF5;
	[smem:$0x3FB2] =	sst s0  }
0x18: {  	s0 =	sld [smem:$0x3F95];
	_ =	swait.ge [sflag:s4], $0x0  }
0x19: {  	s7 =	sld [smem:$0x3F96]  }
0x1a: {  	s8 =	sadd.s32 $0xFFFFE003, lr  }
0x1b: {  	s9 =	sadd.s32 $0xFFFFFEF7, lr;
	s5 =	simm.s32 $0xFFFFFFFF;
	p2 =	slt.u32 s8, $0xFFFFF086  }
0x1c: {  	p1 =	slt.u32 s9, $0xF7A;
	s5 =	simm.s32 @!p2 $0x0  }
0x1d: {  	s5 =	simm.s32 @p1 $0x1;
	p0 =	seq.s32 s7, s2  }
0x1e: {  	s7 =	smul.u32 @!p0 $0xF7A, s2;
	p2 =	seq.s32 @!p0 s5, $0x0  }
0x1f: {  	s9 =	smul.u32 $0xF7A, s1;
	s8 =	simm.s32 @!p0 $0x1BF5;
	p2 =	por !p2, p0  }
0x20: {  	[sflag:s8] =	ssyncset.s32 @!p0 $0xFFFFF086;
	s6 =	sadd.s32 @!p0 s3, s7;
	s7 =	simm.s32 @!p0 $0x108  }
0x21: {  	s3 =	sadd.s32 s3, s9;
	s6 =	sadd.s32 @!p0 $0x88, s6;
	s7 =	simm.s32 @p2 $0x1082  }
0x22: {  	[simem:s7], [sflag:s8] =	dma.local @!p0 [hbm:s6], $0xF7A  }
0x23: {  	s9 =	sor.u32 $0xD0000000, s2;
	s6 =	simm.s32 $0x108;
	_ =	swait.ge @!p0 [sflag:s8], $0x0  }
0x24: {  	s3 =	sadd.s32 $0x88, s3;
	s6 =	simm.s32 @!p1 $0x1082;
	[sflag:s4] =	ssyncset.s32 $0xFFFFF086  }
0x25: {  	[simem:s6], [sflag:s4] =	dma.local [hbm:s3], $0xF7A  }
0x26: {  	[smem:$0x3F96] =	sst s1;
	(tag) =	ssettag s2;
	_ =	strace s9  }
0x27: {  	s1 =	sld [smem:$0x3FA6]  }
0x28: {  	s2 =	sld [smem:$0x3FA7]  }
0x29: {  	s4 =	sld [smem:$0x3FA9]  }
0x2a: {  	p0 =	seq.s32 s5, $0x0;
	s5 =	sld [smem:$0x3FAA]  }
0x2b: {  	s6 =	sld [smem:$0x3FAB]  }
0x2c: {  	s7 =	sld [smem:$0x3FAC]  }
0x2d: {  	s3 =	simm.s32 $0x108;
	s8 =	sld [smem:$0x3FAD]  }
0x2e: {  	s3 =	simm.s32 @!p0 $0x1082;
	s9 =	sld [smem:$0x3FAE]  }
0x2f: {  	lr =	sadd.s32 s0, s3;
	s0 =	sld [smem:$0x3FA5]  }
0x30: {  	s3 =	sld [smem:$0x3FA8]  }
0x31: {  	[smem:$0x3FB1] =	sst s10  }
0x32: {  	s10 =	sld [smem:$0x3FAF];
	_ =	sdelay $0x3  }
0x33: {  	p0 =	seq.s32 s10, $0x1;
	s10 =	sld [smem:$0x3FB1];
	_ =	sdelay $0x3  }
0x34: {  	[smem:$0x3FB1] =	sst s10  }
0x35: {  	s10 =	sld [smem:$0x3FB0];
	_ =	sdelay $0x3  }
0x36: {  	p1 =	seq.s32 s10, $0x1;
	s10 =	sld [smem:$0x3FB1];
	_ =	sdelay $0x3  }
0x37: {  	[smem:$0x3FB1] =	sst s10  }
0x38: {  	s10 =	sld [smem:$0x3FB2]  }
0x39: {  	_ = 	snop;
	(pc) =	sbr.ind lr, $3  }
0x3a: {  	_ = 	snop  }
0x3b: {  	_ = 	snop  }
0x3c: {  	p2 =	seq.s32 s10, $0x1;
	s10 =	sld [smem:$0x3FB1]  }
0x3d: {  	_ =	shalt  }
0x3e: {  	_ =	shalt  }
0x3f: {  	_ =	shalt  }
0x40: {  	_ =	shalt  }
0x41: {  	_ =	shalt  }
0x42: {  	_ =	shalt  }
0x43: {  	_ =	shalt  }
0x44: {  	_ =	shalt  }
0x45: {  	_ =	shalt  }
0x46: {  	_ =	shalt  }
0x47: {  	_ =	shalt  }
0x48: {  	_ =	shalt  }
0x49: {  	_ =	shalt  }
0x4a: {  	_ =	shalt  }
0x4b: {  	_ =	shalt  }
0x4c: {  	_ =	shalt  }
0x4d: {  	_ =	shalt  }
0x4e: {  	_ =	shalt  }
0x4f: {  	_ =	shalt  }
0x50: {  	_ =	shalt  }
0x51: {  	_ =	shalt  }
0x52: {  	_ =	shalt  }
0x53: {  	_ =	shalt  }
0x54: {  	_ =	shalt  }
0x55: {  	_ =	shalt  }
0x56: {  	_ =	shalt  }
0x57: {  	_ =	shalt  }
0x58: {  	_ =	shalt  }
0x59: {  	_ =	shalt  }
0x5a: {  	_ =	shalt  }
0x5b: {  	_ =	shalt  }
0x5c: {  	_ =	shalt  }
0x5d: {  	_ =	shalt  }
0x5e: {  	_ =	shalt  }
0x5f: {  	_ =	shalt  }
0x60: {  	_ =	shalt  }
0x61: {  	_ =	shalt  }
0x62: {  	_ =	shalt  }
0x63: {  	_ =	shalt  }
0x64: {  	_ =	shalt  }
0x65: {  	_ =	shalt  }
0x66: {  	_ =	shalt  }
0x67: {  	_ =	shalt  }
0x68: {  	_ =	shalt  }
0x69: {  	_ =	shalt  }
0x6a: {  	_ =	shalt  }
0x6b: {  	_ =	shalt  }
0x6c: {  	_ =	shalt  }
0x6d: {  	_ =	shalt  }
0x6e: {  	_ =	shalt  }
0x6f: {  	_ =	shalt  }
0x70: {  	_ =	shalt  }
0x71: {  	_ =	shalt  }
0x72: {  	_ =	shalt  }
0x73: {  	_ =	shalt  }
0x74: {  	_ =	shalt  }
0x75: {  	_ =	shalt  }
0x76: {  	_ =	shalt  }
0x77: {  	_ =	shalt  }
0x78: {  	_ =	shalt  }
0x79: {  	_ =	shalt  }
0x7a: {  	_ =	shalt  }
0x7b: {  	_ =	shalt  }
0x7c: {  	_ =	shalt  }
0x7d: {  	_ =	shalt  }
0x7e: {  	_ =	shalt  }
0x7f: {  	_ =	shalt  }
0x80: {  	_ =	shalt  }
0x81: {  	_ =	shalt  }
0x82: {  	_ =	shalt  }
0x83: {  	_ =	shalt  }
0x84: {  	_ =	shalt  }
0x85: {  	_ =	shalt  }
0x86: {  	_ =	shalt  }
0x87: {  	_ =	shalt  }
.Lfunc_end0:
.L_simem_size_0:
called_computation.1_lowered:
.L_overlay_start_0:
0x88: {  	s2 =	sld [smem:$0x3FD9]  }
0x89: {  	s3 =	sld [smem:$0x3FFE];
	_ =	sdelay $0x1  }
0x8a: {  	s1 =	srdreg.scid  }
0x8b: {  	s0 =	sand.u32 $0x1, s1  }
0x8c: {  	s16 =	sshll.u32 s0, $0xA;
	s2 =	sadd.s32 s3, s2  }
0x8d: {  	s2 =	sadd.s32 s2, s16  }
0x8e: {  	[smem:$0x3FBD] =	sst s2  }
0x8f: {  	_ = 	snop  }
0x90: {  	(tm) =	ssettm $0x1  }
0x91: {  	s17 =	sld [smem:$0x3FFB];
	_ =	sdelay $0x3  }
0x92: {  	_ =	strace s17  }
0x93: {  	s2 =	sld [smem:$0x3FFC];
	_ =	sdelay $0x3  }
0x94: {  	_ =	strace s2  }
0x95: {  	s2 =	sld [smem:$0x3FFD];
	_ =	sdelay $0x3  }
0x96: {  	_ =	strace s2  }
0x97: {  	_ =	strace $0x8FFFFFFF  }
0x98: {  	s18 =	sld [smem:$0x3FDB];
	_ =	sdelay $0x1  }
0x99: {  	s19 =	simm.s32 $_scs_section_size  }
0x9a: {  	s4 =	simm.s32 $_size__tile_overlayer_lowered;
	s5 =	simm.s32 $_tile_overlayer_lowered  }
0x9b: {  	s22 =	simm.s32 $0x1BFF;
	s21 =	sshll.u32 s5, $0x1;
	s2 =	sadd.s32 s19, s18  }
0x9c: {  	s6 =	simm.s32 $0x0;
	s20 =	sshll.u32 s4, $0x1;
	s4 =	sadd.s32 s21, s2  }
0x9d: {  	[timem:s6], [sflag:s22] =	dma.local [hbm:s4], s20  }
0x9e: {  	_ =	swait.ge [sflag:s22], s20  }
0x9f: {  	s3 =	ssub.s32 $0x0, s20;
	[sflag:s22] =	ssyncset.done $0x0  }
0xa0: {  	[sflag:s22] =	ssyncadd.s32 s3;
	_ =	sdelay $0x1  }
0xa1: {  	s23 =	simm.s32 $0x1B8B  }
0xa2: {  	_ =	swait.ge [sflag:s23], $0x1  }
0xa3: {  	[sflag:s23] =	ssyncset.done $0x0  }
0xa4: {  	s25 =	simm.s32 $0x1B8E;
	s24 =	sld [smem:$0x3FFE];
	[sflag:s23] =	ssyncadd.s32 $0xFFFFFFFF  }
0xa5: {  	s26 =	simm.s32 $execute0_lowered;
	[smem:$0x3FD2] =	sst s25  }
0xa6: {  	s4 =	sshll.u32 s26, $0x1;
	_ =	strace $0x80000049;
	[dreg:$0x1] =	wrdreg $0xFFFFFFFF  }
0xa7: {  	s28 =	simm.s32 $_size_execute0_lowered;
	s2 =	sadd.s32 s2, s4;
	[dreg:$0x0] =	wrdreg $0x0  }
0xa8: {  	s4 =	sshll.u32 s28, $0x1;
	[dreg:$0x2] =	wrdreg s2  }
0xa9: {  	[dreg:$0x3] =	wrdreg s4  }
0xaa: {  	[dreg:$0x4] =	wrdreg $0xC0  }
0xab: {  	_ =	task [dreg:s6], $0x5FFFF  }
0xac: {  	[dreg:$0x1] =	wrdreg $0xFFFFFFFF  }
0xad: {  	[dreg:$0x0] =	wrdreg $0x60  }
0xae: {  	[dreg:$0x2] =	wrdreg s24  }
0xaf: {  	[dreg:$0x3] =	wrdreg $0x9  }
0xb0: {  	_ =	task.clear_ibuf [dreg:s6], $0x4FFFF;
	_ =	strace $0x90000049  }
0xb1: {  	s29 =	simm.s32 $0x9;
	_ =	strace $0x8000004B  }
0xb2: {  	_ =	swait.ge [sflag:s29], $0x1  }
0xb3: {  	[sflag:s29] =	ssyncadd.s32 $0xFFFFFFFF  }
0xb4: {  	_ =	strace $0x9000004B  }
0xb5: {  	_ =	sfence  }
0xb6: {  	s30 =	sld [smem:$0x0];
	_ =	sdelay $0x2  }
0xb7: {  	s31 =	sshll.u32 s1, $0xD;
	s1 =	sshrl.u32 s1, $0x2  }
0xb8: {  	s3 =	sand.u32 $0x4000, s31;
	s1 =	sadd.s32 s1, s30  }
0xb9: {  	s0 =	sor.u32 s3, s0;
	s1 =	sshll.u32 s1, $0x11  }
0xba: {  	s0 =	sor.u32 s1, s0  }
0xbb: {  	s0 =	sadd.s32 $0x8F2B, s0  }
0xbc: {  	[sflag:s0] =	ssyncadd.remote.s32 $0x1  }
0xbd: {  	_ =	sfence.sel $0xFFFF  }
0xbe: {  	[dreg:$0x0] =	wrdreg $0xFFFFFFFF;
	(pc) =	sbr.abs _section_cstart, $3  }
0xbf: {  	[dreg:$0x1] =	wrdreg $0xFFFFFFFF  }
0xc0: {  	_ =	task.clear_ibuf [dreg:s6], $0x2FFFF;
	_ =	strace $0x9FFFFFFF  }
0xc1: {  	(tm) =	ssettm $0x7FFFFFFF  }
tec
execute0_lowered:
.L_overlay_start_1:
0x0: {  	(tag) =	ssettag $0x1  }
0x1: {  	s0 =	rddreg [dreg:$0x0]  }
0x2: {  	s2 =	srdreg.scid;
	s1 =	stileid.u32  }
0x3: {  	s8 =	simm.s32 $0x80;
	s26 =	simm.s32 $0x880;
	s9 =	simm.s32 $0x1080  }
0x4: {  	s10 =	simm.s32 $0x1880;
	s11 =	simm.s32 $0x2080;
	s12 =	simm.s32 $0x2880  }
0x5: {  	s13 =	simm.s32 $0x3080;
	s14 =	simm.s32 $0x3880;
	s15 =	simm.s32 $0x4080  }
0x6: {  	s16 =	simm.s32 $0x4880;
	s17 =	simm.s32 $0x5080;
	s18 =	simm.s32 $0x5880  }
0x7: {  	s19 =	simm.s32 $0x6080;
	s20 =	simm.s32 $0x6880;
	s21 =	simm.s32 $0x7080  }
0x8: {  	s22 =	simm.s32 $0x7880;
	s23 =	simm.s32 $0x8080;
	s24 =	simm.s32 $0x8880  }
0x9: {  	s28 =	simm.s32 $0xA080;
	s29 =	simm.s32 $0xA880;
	s30 =	simm.s32 $0xB080  }
0xa: {  	s31 =	simm.s32 $0xB880;
	s3 =	sand.u32 $0x1, s2;
	s2 =	simm.s32 $0x0  }
0xb: {  	s4 =	sshll.u32 s1, $0x4;
	s5 =	sshll.u32 s3, $0x3;
	[smem:$0x7FF] =	sst s2  }
0xc: {  	s6 =	ssub.s32 $0x2, s3;
	s3 =	sadd.s32 $0x32800, s0;
	s4 =	sor.u32 s5, s4  }
0xd: {  	_ =	strace $0x8000004A;
	s7 =	sshrl.u32 s6, $0x1;
	[dreg:$0x4] =	wrdreg s26  }
0xe: {  	s26 =	simm.s32 $0x9880;
	s5 =	smul.u32 $0x300, s4;
	s4 =	sadd.s32 s4, s0  }
0xf: {  	s6 =	ssub.s32 s6, s7;
	s7 =	simm.s32 $0x2;
	s4 =	sadd.s32 $0x32600, s4  }
0x10: {  	v2 =	vlaneseq.u32;
	s6 =	smax.u32 s6, $0x1;
	s5 =	sadd.s32 s5, s0;
	[dreg:$0x2] =	wrdreg s4  }
0x11: {  	vm0 =	vmmov $0xffff;
	v1 =	vshrl.u32 v2, $0x3;
	s4 =	sadd.s32 $0x32900, s0;
	s25 =	sadd.s32 $0x2600, s5;
	s5 =	sadd.s32 $0x32A00, s0  }
0x12: {  	v0 =	vand.u32 $0x7, v2;
	v2 =	vor.u32 $0x8, v2;
	v1 =	vmul.u32 $0x8, v1;
	s0 =	simm.s32 $0x1;
	[dreg:$0x3] =	wrdreg s25;
	s25 =	simm.s32 $0x9080  }
.LBB2_1:
0x13: {  	s1 =	rddreg [dreg:$0x2]  }
0x14: {  	[tilespmem:s2], [sflag:$0x2] =	stream.linear.gather [hbm4b:s1+s2], $0x40, $0x38;
	[tilespmem:$0xC080] =	vst v63  }
0x15: {  	_ =	swait.ge [sflag:s7], $0x40  }
0x16: {  	[sflag:s7] =	ssyncset.done $0x0  }
0x17: {  	[sflag:s7] =	ssyncadd.s32 $0xFFFFFFC0  }
0x18: {  	v3 =	vld [tilespmem:$0x0];
	_ =	sdelay $0x4  }
0x19: {  	v4 =	vshrl.u32 v3, $0x3  }
0x1a: {  	v4 =	vmul.u32 $0x30, v4  }
0x1b: {  	v3 =	vand.u32 $0x7, v3  }
0x1c: {  	v3 =	vor.u32 v3, v4  }
0x1d: {  	v4 =	vperm.xlane v3, v0;
	_ =	sdelay $0x1  }
0x1e: {  	v4 =	vadd.s32 v1, v4;
	_ =	sdelay $0x3  }
0x1f: {  	v3 =	vperm.xlane v3, v2  }
0x20: {  	[tilespmem:s8], [sflag:$0x1] =	stream.indirect_vreg.gather [hbm4b:s3+s2], $0x80, v4, vm0, $0xb8;
	[tilespmem:$0xC080] =	vst v63  }
0x21: {  	s1 =	rddreg [dreg:$0x4];
	v3 =	vadd.s32 v1, v3  }
0x22: {  	[tilespmem:s1], [sflag:$0x1] =	stream.indirect_vreg.gather [hbm4b:s4+s2], $0x80, v4, vm0, $0xb8;
	[tilespmem:$0xC080] =	vst v63  }
0x23: {  	_ = 	snop  }
0x24: {  	[tilespmem:s9], [sflag:$0x1] =	stream.indirect_vreg.gather [hbm4b:s5+s2], $0x80, v4, vm0, $0xb8;
	[tilespmem:$0xC080] =	vst v63  }
0x25: {  	_ = 	snop  }
0x26: {  	[tilespmem:s10], [sflag:$0x1] =	stream.indirect_vreg.gather [hbm4b:s3+s2], $0x80, v3, vm0, $0xb8;
	[tilespmem:$0xC080] =	vst v63  }
0x27: {  	_ = 	snop  }
0x28: {  	[tilespmem:s11], [sflag:$0x1] =	stream.indirect_vreg.gather [hbm4b:s4+s2], $0x80, v3, vm0, $0xb8;
	[tilespmem:$0xC080] =	vst v63  }
0x29: {  	_ = 	snop  }
0x2a: {  	[tilespmem:s12], [sflag:$0x1] =	stream.indirect_vreg.gather [hbm4b:s5+s2], $0x80, v3, vm0, $0xb8;
	[tilespmem:$0xC080] =	vst v63  }
0x2b: {  	v3 =	vld [tilespmem:$0x10];
	_ =	sdelay $0x4  }
0x2c: {  	v61 =	vshrl.u32 v3, $0x3  }
0x2d: {  	v4 =	vmul.u32 $0x30, v61  }
0x2e: {  	v3 =	vand.u32 $0x7, v3  }
0x2f: {  	v3 =	vor.u32 v3, v4  }
0x30: {  	v4 =	vperm.xlane v3, v0;
	_ =	sdelay $0x1  }
0x31: {  	v4 =	vadd.s32 v1, v4;
	_ =	sdelay $0x3  }
0x32: {  	v3 =	vperm.xlane v3, v2  }
0x33: {  	[tilespmem:s13], [sflag:$0x1] =	stream.indirect_vreg.gather [hbm4b:s3+s2], $0x80, v4, vm0, $0xb8;
	[tilespmem:$0xC080] =	vst v63  }
0x34: {  	v3 =	vadd.s32 v1, v3  }
0x35: {  	[tilespmem:s14], [sflag:$0x1] =	stream.indirect_vreg.gather [hbm4b:s4+s2], $0x80, v4, vm0, $0xb8;
	[tilespmem:$0xC080] =	vst v63  }
0x36: {  	_ = 	snop  }
0x37: {  	[tilespmem:s15], [sflag:$0x1] =	stream.indirect_vreg.gather [hbm4b:s5+s2], $0x80, v4, vm0, $0xb8;
	[tilespmem:$0xC080] =	vst v63  }
0x38: {  	_ = 	snop  }
0x39: {  	[tilespmem:s16], [sflag:$0x1] =	stream.indirect_vreg.gather [hbm4b:s3+s2], $0x80, v3, vm0, $0xb8;
	[tilespmem:$0xC080] =	vst v63  }
0x3a: {  	_ = 	snop  }
0x3b: {  	[tilespmem:s17], [sflag:$0x1] =	stream.indirect_vreg.gather [hbm4b:s4+s2], $0x80, v3, vm0, $0xb8;
	[tilespmem:$0xC080] =	vst v63  }
0x3c: {  	_ = 	snop  }
0x3d: {  	[tilespmem:s18], [sflag:$0x1] =	stream.indirect_vreg.gather [hbm4b:s5+s2], $0x80, v3, vm0, $0xb8;
	[tilespmem:$0xC080] =	vst v63  }
0x3e: {  	v3 =	vld [tilespmem:$0x20];
	_ =	sdelay $0x4  }
0x3f: {  	v62 =	vshrl.u32 v3, $0x3  }
0x40: {  	v4 =	vmul.u32 $0x30, v62  }
0x41: {  	v3 =	vand.u32 $0x7, v3  }
0x42: {  	v3 =	vor.u32 v3, v4  }
0x43: {  	v4 =	vperm.xlane v3, v0;
	_ =	sdelay $0x1  }
0x44: {  	v4 =	vadd.s32 v1, v4;
	_ =	sdelay $0x3  }
0x45: {  	v3 =	vperm.xlane v3, v2  }
0x46: {  	[tilespmem:s19], [sflag:$0x1] =	stream.indirect_vreg.gather [hbm4b:s3+s2], $0x80, v4, vm0, $0xb8;
	[tilespmem:$0xC080] =	vst v63  }
0x47: {  	v3 =	vadd.s32 v1, v3  }
0x48: {  	[tilespmem:s20], [sflag:$0x1] =	stream.indirect_vreg.gather [hbm4b:s4+s2], $0x80, v4, vm0, $0xb8;
	[tilespmem:$0xC080] =	vst v63  }
0x49: {  	_ = 	snop  }
0x4a: {  	[tilespmem:s21], [sflag:$0x1] =	stream.indirect_vreg.gather [hbm4b:s5+s2], $0x80, v4, vm0, $0xb8;
	[tilespmem:$0xC080] =	vst v63  }
0x4b: {  	_ = 	snop  }
0x4c: {  	[tilespmem:s22], [sflag:$0x1] =	stream.indirect_vreg.gather [hbm4b:s3+s2], $0x80, v3, vm0, $0xb8;
	[tilespmem:$0xC080] =	vst v63  }
0x4d: {  	_ = 	snop  }
0x4e: {  	[tilespmem:s23], [sflag:$0x1] =	stream.indirect_vreg.gather [hbm4b:s4+s2], $0x80, v3, vm0, $0xb8;
	[tilespmem:$0xC080] =	vst v63  }
0x4f: {  	_ = 	snop  }
0x50: {  	[tilespmem:s24], [sflag:$0x1] =	stream.indirect_vreg.gather [hbm4b:s5+s2], $0x80, v3, vm0, $0xb8;
	[tilespmem:$0xC080] =	vst v63  }
0x51: {  	v3 =	vld [tilespmem:$0x30];
	_ =	sdelay $0x4  }
0x52: {  	v63 =	vshrl.u32 v3, $0x3  }
0x53: {  	v4 =	vmul.u32 $0x30, v63  }
0x54: {  	v3 =	vand.u32 $0x7, v3  }
0x55: {  	v3 =	vor.u32 v3, v4  }
0x56: {  	v4 =	vperm.xlane v3, v0;
	_ =	sdelay $0x1  }
0x57: {  	v4 =	vadd.s32 v1, v4;
	_ =	sdelay $0x3  }
0x58: {  	v3 =	vperm.xlane v3, v2  }
0x59: {  	[tilespmem:s25], [sflag:$0x1] =	stream.indirect_vreg.gather [hbm4b:s3+s2], $0x80, v4, vm0, $0xb8;
	[tilespmem:$0xC080] =	vst v63  }
0x5a: {  	v3 =	vadd.s32 v1, v3  }
0x5b: {  	[tilespmem:s26], [sflag:$0x1] =	stream.indirect_vreg.gather [hbm4b:s4+s2], $0x80, v4, vm0, $0xb8;
	[tilespmem:$0xC080] =	vst v63  }
0x5c: {  	_ = 	snop  }
0x5d: {  	[tilespmem:s28], [sflag:$0x1] =	stream.indirect_vreg.gather [hbm4b:s5+s2], $0x80, v4, vm0, $0xb8;
	[tilespmem:$0xC080] =	vst v63  }
0x5e: {  	_ = 	snop  }
0x5f: {  	[tilespmem:s29], [sflag:$0x1] =	stream.indirect_vreg.gather [hbm4b:s3+s2], $0x80, v3, vm0, $0xb8;
	[tilespmem:$0xC080] =	vst v63  }
0x60: {  	_ = 	snop  }
0x61: {  	[tilespmem:s30], [sflag:$0x1] =	stream.indirect_vreg.gather [hbm4b:s4+s2], $0x80, v3, vm0, $0xb8;
	[tilespmem:$0xC080] =	vst v63  }
0x62: {  	_ = 	snop  }
0x63: {  	[tilespmem:s31], [sflag:$0x1] =	stream.indirect_vreg.gather [hbm4b:s5+s2], $0x80, v3, vm0, $0xb8;
	[tilespmem:$0xC080] =	vst v63  }
0x64: {  	_ =	swait.ge [sflag:s0], $0xC000  }
0x65: {  	p0 =	sne.s32 s6, $0x1;
	[sflag:s0] =	ssyncset.done $0x0  }
.Ltmp0:
0x66: {  	s1 =	rddreg [dreg:$0x3];
	[sflag:s0] =	ssyncadd.s32 $0xFFFF4000;
	(pc) =	sbr.rel @p0 .LBB2_1-.Ltmp0, $4  }
0x67: {  	[hbm4b:s1+s2] =	stream.linear.scatter [tilespmem:s8], [sflag:$0x2], $0xC000, $0x38;
	[tilespmem:$0xC080] =	vst v63  }
0x68: {  	_ =	swait.ge [sflag:s7], $0xC000  }
0x69: {  	[sflag:s7] =	ssyncset.done $0x0  }
0x6a: {  	s6 =	sadd.s32 $0xFFFFFFFF, s6;
	[sflag:s7] =	ssyncadd.s32 $0xFFFF4000  }
0x6b: {  	_ =	sfence.sel $0x180000  }
0x6c: {  	[bflag:$0x0] =	sbarrier.arrive $0xFFFF  }
0x6d: {  	_ =	strace $0x9000004A  }
0x6e: {  	s0 =	stileid.u32;
	[bflag:$0x2] =	sbarrier.arrive $0xFFFF  }
0x6f: {  	p0 =	sne.s32 s0, $0x0;
	s0 =	rddreg [dreg:$0x1]  }
0x70: {  	s0 =	sadd.s32 @!p0 $0x100000, s0  }
0x71: {  	[sflag:s0] =	ssyncadd.tile.s32 @!p0 $0x1;
	_ =	shalt  }
.Lfunc_end2:
_tile_overlayer_lowered:
.L_overlay_start_2:
0x72: {  	(tag) =	ssettag $0x2  }
0x73: {  	s0 =	rddreg [dreg:$0x0];
	s2 =	stileid.u32  }
0x74: {  	s1 =	rddreg [dreg:$0x1];
	p0 =	sne.s32 s2, $0x0  }
0x75: {  	s3 =	rddreg [dreg:$0x2];
	[bflag:$0x3] =	sbarrier.arrive $0xFFFF;
	s2 =	simm.s32 @!p0 $0x1C02  }
0x76: {  	[timem:s3], [sflag:s2] =	dma.local @!p0 [hbm:s0], s1  }
0x77: {  	s0 =	simm.s32 @!p0 $0x2  }
0x78: {  	_ =	swait.ge @!p0 [sflag:s0], s1  }
0x79: {  	s1 =	ssub.s32 @!p0 $0x0, s1;
	[sflag:s0] =	ssyncset.done @!p0 $0x0  }
0x7a: {  	[sflag:s0] =	ssyncadd.s32 @!p0 s1  }
0x7b: {  	[bflag:$0x3] =	sbarrier.arrive $0xFFFF  }
0x7c: {  	_ =	shalt  }

</sc_bundles>
